<compile_context>
chip_gen: v7x
topology: tpu7x:2x2x1
jax: 0.10.2.dev20260603
libtpu: 0.0.44.dev20260713+nightly
codegen_flags: <defaults>
</compile_context>

<pallas_src>
import math

import numpy as np
import jax
import jax.numpy as jnp
from jax import lax
from jax.experimental import pallas as pl
from jax.experimental.pallas import tpu as pltpu
from jax.experimental.pallas import tpu_sc as plsc

_B, _Y = 1024, 100000
_MAX_TRIALS = 50
_NSTREAM = _B * _MAX_TRIALS + 1024
_PAD = 64
_NTOT = _NSTREAM + _PAD


def _build_consts():
    rng = np.random.default_rng(0)
    stream = np.empty(_NTOT, np.int32)
    for j in range(_NSTREAM):
        stream[j] = rng.integers(0, _Y)
    stream[_NSTREAM:] = stream[_NSTREAM - 1]
    prev = np.empty(_NTOT, np.int32)
    last = {}
    for j in range(_NSTREAM):
        v = int(stream[j])
        prev[j] = last.get(v, -1)
        last[v] = j
    for j in range(_NSTREAM, _NTOT):
        prev[j] = j - 1
    logt = np.zeros(64, np.float32)
    for t in range(1, _MAX_TRIALS + 1):
        logt[t - 1] = math.log(math.floor((_Y - 1) / t))
    return stream, prev, logt


_STREAM_NP, _PREV_NP, _LOGT_NP = _build_consts()

_BC = 2048
_NBLK = (_Y + _BC - 1) // _BC


def _pos_body(t_ref, o_ref):
    j = pl.program_id(0)
    base = j * _BC
    col_i = base + lax.broadcasted_iota(jnp.int32, (_BC, 1), 0)
    valid = col_i < _Y
    contrib = jnp.where(valid, t_ref[...] * col_i.astype(jnp.float32), 0.0)
    partial = jnp.sum(contrib, axis=0, keepdims=True)

    @pl.when(j == 0)
    def _():
        o_ref[...] = partial

    @pl.when(j > 0)
    def _():
        o_ref[...] += partial


def _compute_pos(target_t):
    out = pl.pallas_call(
        _pos_body,
        grid=(_NBLK,),
        in_specs=[pl.BlockSpec((_BC, _B), lambda j: (j, 0))],
        out_specs=pl.BlockSpec((1, _B), lambda j: (0, 0)),
        out_shape=jax.ShapeDtypeStruct((1, _B), jnp.float32),
    )(target_t)
    return out[0].astype(jnp.int32)


_IOTA16 = lambda: lax.iota(jnp.int32, 16)


def _splat_gather(ref, i):
    v = plsc.load_gather(ref, [jnp.full((16,), i, jnp.int32)])
    return jnp.max(v)


def _lane_extract(vec, k):
    return jnp.sum(jnp.where(_IOTA16() == k, vec, jnp.zeros_like(vec)))


_CHUNK = 16
_W = 64
_NCHUNK = _B // _CHUNK


def _off(cols, rows):
    return (((cols >> 3) << 13) + ((cols & 7) << 7)
            + ((rows >> 7) << 10) + (rows & 127))


def _walk_body(xflat, pos_h, stream_h, prev_h, logt_h, out_h,
               stream_v, prev_v, pos_v, idx_v, ps_v, logt_v, xg_v, xi_v,
               xw_v, xg64_v, xi64_v, out_v, xw_s, sem, sem_fb):
    cid = lax.axis_index("c")
    sid = lax.axis_index("s")

    @pl.when(cid == 0)
    def _():
        pltpu.sync_copy(stream_h, stream_v)
        pltpu.sync_copy(prev_h, prev_v)
        pltpu.sync_copy(pos_h, pos_v)
        pltpu.sync_copy(logt_h, logt_v)

        def build(k, carry):
            rows = k * 16 + _IOTA16()
            pv = pos_v[pl.ds(k * 16, 16)]
            idx_v[k // 8, pl.ds((k % 8) * 16, 16)] = _off(pv, rows)
            return carry

        lax.fori_loop(0, _B // 16, build, 0)

        def psgather(k, carry):
            pltpu.async_copy(xflat.at[idx_v.at[k]],
                             ps_v.at[pl.ds(k * 128, 128)], sem).wait()
            return carry

        lax.fori_loop(0, _B // 128, psgather, 0)

        def issue_prefetch(c, origin):
            myrow = c * _CHUNK + sid
            j0me = origin + sid

            def gA(b, carry2):
                jj = jnp.minimum(j0me + b * 16 + _IOTA16(), _NTOT - 1)
                sv = plsc.load_gather(stream_v, [jj])
                xi64_v[pl.ds(b * 16, 16)] = _off(sv, myrow)
                return carry2

            lax.fori_loop(0, _W // 16, gA, 0)
            pltpu.async_copy(xflat.at[xi64_v], xg64_v, sem)

        issue_prefetch(0, jnp.int32(0))

        def chunk_body(c, carry):
            P, O, acc = carry

            pltpu.make_async_copy(xflat.at[xi64_v], xg64_v, sem).wait()
            pltpu.sync_copy(xg64_v, xw_s.at[c % 2, pl.ds(sid * _W, _W)])
            plsc.subcore_barrier()
            O_next = P + _CHUNK

            @pl.when(c + 1 < _NCHUNK)
            def _():
                issue_prefetch(c + 1, O_next)

            pltpu.sync_copy(xw_s.at[c % 2], xw_v)

            def row_body(t, carry3):
                p0, acc_ = carry3
                i = c * _CHUNK + t
                pos_i = _splat_gather(pos_v, i)
                ps_i = _splat_gather(ps_v, i).astype(jnp.float32)
                rowoff = ((i >> 7) << 10) + (i & 127)
                j0t = O + t

                def w_cond(st):
                    return jnp.logical_not(st[2])

                def w_body(st):
                    p, T, done, found, negx, trf = st
                    jj = jnp.minimum(p + _IOTA16(), _NTOT - 1)
                    sv = plsc.load_gather(stream_v, [jj])
                    pv = plsc.load_gather(prev_v, [jj])
                    d = p - j0t

                    def from_win():
                        return plsc.load_gather(
                            xw_v, [t * _W + jnp.minimum(d, _W - 16)
                                   + _IOTA16()])

                    def from_dma():
                        xi_v[...] = (((sv >> 3) << 13) + ((sv & 7) << 7)
                                     + rowoff)
                        pltpu.async_copy(xflat.at[xi_v], xg_v, sem_fb).wait()
                        return xg_v[...]

                    usable = jnp.logical_and(d >= 0, d + 16 <= _W)
                    xg = lax.cond(usable, from_win, from_dma)
                    cand = jnp.logical_and(sv != pos_i, pv < p0)
                    a = xg
                    nb = -ps_i
                    s1 = a + nb
                    t1 = s1 - a
                    e1 = (a - (s1 - t1)) + (nb - t1)
                    s2 = 1.0 + s1
                    t2 = s2 - 1.0
                    e2 = (1.0 - (s2 - t2)) + (s1 - t2)
                    viol = (s2 + (e1 + e2)) < 0.0
                    tk = T + plsc.cumsum(cand.astype(jnp.int32))
                    stop = jnp.logical_and(
                        cand,
                        jnp.logical_or(jnp.logical_not(viol),
                                       tk >= _MAX_TRIALS))
                    kf = jnp.max(plsc.all_reduce_ffs(stop))
                    has = kf < 16
                    k = jnp.where(has, kf, 0)
                    viol_k = _lane_extract(viol.astype(jnp.int32), k) > 0
                    found_n = jnp.logical_and(has, jnp.logical_not(viol_k))
                    negx_n = _lane_extract(xg, k)
                    te = _lane_extract(tk, jnp.where(has, k, 15))
                    trf_n = te
                    ncand = te - T
                    off_end = p + 16 >= _NTOT
                    p_n = jnp.where(has, p + k + 1, p + 16)
                    done_n = jnp.logical_or(has, off_end)
                    return (p_n,
                            jnp.where(has, T, T + ncand),
                            done_n,
                            jnp.where(has, found_n, jnp.bool_(False)),
                            jnp.where(has, negx_n, jnp.float32(0.0)),
                            jnp.where(has, trf_n, jnp.int32(0)))

                init = (p0, jnp.int32(0), p0 >= _NSTREAM, jnp.bool_(False),
                        jnp.float32(0.0), jnp.int32(0))
                p_f, _, _, found, negx, trf = lax.while_loop(
                    w_cond, w_body, init)
                L = _splat_gather(logt_v, jnp.maximum(trf - 1, 0))
                loss_i = jnp.where(found, L * (1.0 - ps_i + negx),
                                   jnp.float32(0.0))
                return (p_f, acc_ + loss_i)

            P2, acc2 = lax.fori_loop(0, _CHUNK, row_body, (P, acc))
            return (P2, O_next, acc2)

        _, _, total = lax.fori_loop(0, _NCHUNK, chunk_body,
                                    (jnp.int32(0), jnp.int32(0),
                                     jnp.float32(0.0)))

        @pl.when(sid == 0)
        def _():
            out_v[...] = jnp.where(_IOTA16() == 0, total, jnp.float32(0.0))
            pltpu.sync_copy(out_v, out_h)


def _run_walk(xflat, pos, interpret=False):
    stream_c = jnp.asarray(_STREAM_NP)
    prev_c = jnp.asarray(_PREV_NP)
    logt_c = jnp.asarray(_LOGT_NP)
    mesh = plsc.VectorSubcoreMesh(core_axis_name="c", subcore_axis_name="s",
                                  num_cores=2, num_subcores=16)
    f = pl.kernel(
        _walk_body,
        out_type=jax.ShapeDtypeStruct((16,), jnp.float32),
        mesh=mesh,
        scratch_types=[
            pltpu.VMEM((_NTOT,), jnp.int32),
            pltpu.VMEM((_NTOT,), jnp.int32),
            pltpu.VMEM((_B,), jnp.int32),
            pltpu.VMEM((_B // 128, 128), jnp.int32),
            pltpu.VMEM((_B,), jnp.float32),
            pltpu.VMEM((64,), jnp.float32),
            pltpu.VMEM((16,), jnp.float32),
            pltpu.VMEM((16,), jnp.int32),
            pltpu.VMEM((_CHUNK * _W,), jnp.float32),
            pltpu.VMEM((_W,), jnp.float32),
            pltpu.VMEM((_W,), jnp.int32),
            pltpu.VMEM((16,), jnp.float32),
            pltpu.VMEM_SHARED((2, _CHUNK * _W), jnp.float32),
            pltpu.SemaphoreType.DMA,
            pltpu.SemaphoreType.DMA,
        ],
        compiler_params=pltpu.CompilerParams(needs_layout_passes=False),
        interpret=interpret,
    )
    return f(xflat, pos, stream_c, prev_c, logt_c)


def kernel(input, target):
    pos = _compute_pos(target.T)
    xraw = input.T.reshape(_Y // 8, 8, _B // 128, 128)
    xraw = xraw.transpose(0, 2, 1, 3).reshape(-1)
    out16 = _run_walk(xraw, pos)
    return out16[0:1]

# --- scband reference (transcript-rebuilt; emitter-appended) ---
"""Pipeline reference for scband-warploss-39968965656935 (READ-ONLY COPY).

The authoritative reference and input builder live on the scoring server;
editing this copy changes nothing except your own understanding.
"""

import jax, jax.numpy as jnp
import numpy as np
import math

B, Y = 1024, 100000
MAX_NUM_TRIALS = 50


def setup_inputs(seed: int = 0) -> dict:
    key = jax.random.key(seed)
    k1, k2 = jax.random.split(key)
    x = jax.random.normal(k1, (B, Y), dtype=jnp.float32)
    # one positive label per row (matches torch code's J[i, 1] single-positive assumption)
    pos = jax.random.randint(k2, (B,), 0, Y)
    target = jnp.zeros((B, Y), dtype=jnp.float32).at[jnp.arange(B), pos].set(1.0)
    return {"input": x, "target": target}


def _two_sum(p, q):
    s = p + q
    t = s - p
    e = (p - (s - t)) + (q - t)
    return s, e


def _warp_sample(x, tgt, max_num_trials):
    """Faithful WARP negative sampling (sampling-without-replacement of negatives
    until a margin-violating negative is found or max_num_trials is exhausted).
    Deterministic RNG for reproducibility. Returns per-row pos idx, neg idx, L weight."""
    b, y = x.shape
    rng = np.random.default_rng(0)
    n_draws = b * max_num_trials + 1024
    stream = jnp.asarray(
        np.array([int(rng.integers(0, y)) for _ in range(n_draws)], dtype=np.int32)
    )
    log_table = jnp.asarray(
        np.array(
            [math.log(math.floor((y - 1) / n)) for n in range(1, max_num_trials + 1)],
            dtype=np.float32,
        )
    )
    pos = jnp.argmax(tgt, axis=1).astype(jnp.int32)

    def violates(a, bb):
        # sign of (1.0 + a - bb) with double-precision comparison semantics
        s1, e1 = _two_sum(a, -bb)
        s2, e2 = _two_sum(jnp.float32(1.0), s1)
        return (s2 + (e1 + e2)) < 0.0

    def row_step(ptr, row):
        xrow, j = row
        tried0 = jnp.zeros((y,), dtype=bool).at[j].set(True)
        pos_score = xrow[j]

        def draw_untried(ptr_, tried_):
            c0 = stream[ptr_]

            def in_cond(s):
                return tried_[s[0]]

            def in_body(s):
                return (stream[s[1]], s[1] + 1)

            c, ptr2 = jax.lax.while_loop(in_cond, in_body, (c0, ptr_ + 1))
            return c, ptr2

        def cond(state):
            ptr_, tried_, trials, neg_flag, chosen = state
            return neg_flag & (trials < max_num_trials)

        def body(state):
            ptr_, tried_, trials, neg_flag, chosen = state
            c, ptr_ = draw_untried(ptr_, tried_)
            tried_ = tried_.at[c].set(True)
            trials = trials + 1
            neg_flag = violates(xrow[c], pos_score)
            return (ptr_, tried_, trials, neg_flag, c)

        init = (ptr, tried0, jnp.int32(0), jnp.bool_(True), jnp.int32(0))
        ptr_f, _, trials, neg_flag, chosen = jax.lax.while_loop(cond, body, init)
        found = ~neg_flag
        L_i = jnp.where(found, log_table[trials - 1], jnp.float32(0.0))
        neg_i = jnp.where(found, chosen, jnp.int32(0))
        return ptr_f, (neg_i, L_i)

    _, (neg, L) = jax.lax.scan(row_step, jnp.int32(0), (x, pos))
    return pos, neg, L.astype(jnp.float32)


def reference(input, target):
    pos, neg, L = _warp_sample(input, target, MAX_NUM_TRIALS)
    rows = jnp.arange(input.shape[0])
    # loss = L * (1 - sum(pos_ind*input) + sum(neg_ind*input)) with one-hot indicators
    loss = L * (1.0 - input[rows, pos] + input[rows, neg])
    return jnp.sum(loss, keepdims=True)

if __name__ == "__main__":
    import jax
    _d = setup_inputs()
    print(jax.jit(kernel)(*tuple(_d.values())))

</pallas_src>

<mosaic_0001>
#map = affine_map<(d0, d1) -> (0)>
module attributes {stable_mosaic.version = 14 : i64} {
  func.func @_walk_body(%arg0: i32, %arg1: i32, %arg2: memref<102400000xf32, #tpu.memory_space<hbm>>, %arg3: memref<1024xi32, #tpu.memory_space<hbm>>, %arg4: memref<52288xi32, #tpu.memory_space<hbm>>, %arg5: memref<52288xi32, #tpu.memory_space<hbm>>, %arg6: memref<64xf32, #tpu.memory_space<hbm>>, %arg7: memref<16xf32, #tpu.memory_space<hbm>>, %arg8: memref<52288xi32, #tpu.memory_space<vmem>>, %arg9: memref<52288xi32, #tpu.memory_space<vmem>>, %arg10: memref<1024xi32, #tpu.memory_space<vmem>>, %arg11: memref<8x128xi32, #tpu.memory_space<vmem>>, %arg12: memref<1024xf32, #tpu.memory_space<vmem>>, %arg13: memref<64xf32, #tpu.memory_space<vmem>>, %arg14: memref<16xf32, #tpu.memory_space<vmem>>, %arg15: memref<16xi32, #tpu.memory_space<vmem>>, %arg16: memref<1024xf32, #tpu.memory_space<vmem>>, %arg17: memref<64xf32, #tpu.memory_space<vmem>>, %arg18: memref<64xi32, #tpu.memory_space<vmem>>, %arg19: memref<16xf32, #tpu.memory_space<vmem>>, %arg20: memref<2x1024xf32, #tpu.memory_space<vmem_shared>>, %arg21: memref<!tpu.dma_semaphore, #tpu.memory_space<semaphore_mem>>, %arg22: memref<!tpu.dma_semaphore, #tpu.memory_space<semaphore_mem>>) attributes {dimension_semantics = [#tpu.dimension_semantics<core_parallel>, #tpu.dimension_semantics<subcore_parallel>], iteration_bounds = array<i64: 2, 16>, scalar_prefetch = 0 : i64, scratch_operands = 15 : i64, tpu.core_type = #tpu.core_type<sc_vector_subcore>, window_params = [{transform_indices = #map}, {transform_indices = #map}, {transform_indices = #map}, {transform_indices = #map}, {transform_indices = #map}, {transform_indices = #map}]} {
    %eq3A = arith.constant 0 : i32
    %eq3A_0 = arith.cmpi eq, %arg0, %eq3A : i32
    %convert_element_type3A = arith.extui %eq3A_0 : i1 to i32
    %cond3A = arith.constant 0 : i32
    %cond3A_1 = arith.cmpi ne, %convert_element_type3A, %cond3A : i32
    scf.if %cond3A_1 {
      "tpu.region"() ({
        %run_scoped3A = tpu.sem_alloc : memref<!tpu.dma_semaphore, #tpu.memory_space<semaphore_mem>>
        tpu.enqueue_dma source(%arg4 : memref<52288xi32, #tpu.memory_space<hbm>>) target(%arg8 : memref<52288xi32, #tpu.memory_space<vmem>>) target_semaphore(%run_scoped3A : memref<!tpu.dma_semaphore, #tpu.memory_space<semaphore_mem>>)
        tpu.wait_dma2 semaphore(%run_scoped3A : memref<!tpu.dma_semaphore, #tpu.memory_space<semaphore_mem>>) src(%arg4 : memref<52288xi32, #tpu.memory_space<hbm>>) dst(%arg8 : memref<52288xi32, #tpu.memory_space<vmem>>)
        tpu.yield
      }) : () -> ()
      "tpu.region"() ({
        %run_scoped3A = tpu.sem_alloc : memref<!tpu.dma_semaphore, #tpu.memory_space<semaphore_mem>>
        tpu.enqueue_dma source(%arg5 : memref<52288xi32, #tpu.memory_space<hbm>>) target(%arg9 : memref<52288xi32, #tpu.memory_space<vmem>>) target_semaphore(%run_scoped3A : memref<!tpu.dma_semaphore, #tpu.memory_space<semaphore_mem>>)
        tpu.wait_dma2 semaphore(%run_scoped3A : memref<!tpu.dma_semaphore, #tpu.memory_space<semaphore_mem>>) src(%arg5 : memref<52288xi32, #tpu.memory_space<hbm>>) dst(%arg9 : memref<52288xi32, #tpu.memory_space<vmem>>)
        tpu.yield
      }) : () -> ()
      "tpu.region"() ({
        %run_scoped3A = tpu.sem_alloc : memref<!tpu.dma_semaphore, #tpu.memory_space<semaphore_mem>>
        tpu.enqueue_dma source(%arg3 : memref<1024xi32, #tpu.memory_space<hbm>>) target(%arg10 : memref<1024xi32, #tpu.memory_space<vmem>>) target_semaphore(%run_scoped3A : memref<!tpu.dma_semaphore, #tpu.memory_space<semaphore_mem>>)
        tpu.wait_dma2 semaphore(%run_scoped3A : memref<!tpu.dma_semaphore, #tpu.memory_space<semaphore_mem>>) src(%arg3 : memref<1024xi32, #tpu.memory_space<hbm>>) dst(%arg10 : memref<1024xi32, #tpu.memory_space<vmem>>)
        tpu.yield
      }) : () -> ()
      "tpu.region"() ({
        %run_scoped3A = tpu.sem_alloc : memref<!tpu.dma_semaphore, #tpu.memory_space<semaphore_mem>>
        tpu.enqueue_dma source(%arg6 : memref<64xf32, #tpu.memory_space<hbm>>) target(%arg13 : memref<64xf32, #tpu.memory_space<vmem>>) target_semaphore(%run_scoped3A : memref<!tpu.dma_semaphore, #tpu.memory_space<semaphore_mem>>)
        tpu.wait_dma2 semaphore(%run_scoped3A : memref<!tpu.dma_semaphore, #tpu.memory_space<semaphore_mem>>) src(%arg6 : memref<64xf32, #tpu.memory_space<hbm>>) dst(%arg13 : memref<64xf32, #tpu.memory_space<vmem>>)
        tpu.yield
      }) : () -> ()
      %scan3A = arith.constant 0 : i32
      %scan3A_2 = arith.constant 0 : i32
      %scan3A_3 = arith.constant 64 : i32
      %scan3A_4 = arith.addi %scan3A_2, %scan3A_3 : i32
      %scan3A_5 = arith.constant 1 : i32
      scf.for %scan3A_37 = %scan3A_2 to %scan3A_4 step %scan3A_5  : i32 {
        %mul3A = arith.constant 16 : i32
        %mul3A_38 = arith.muli %scan3A_37, %mul3A : i32
        %iota3A = tpu.iota {dimensions = array<i32: 0>} : vector<16xi32>
        %add3A_39 = vector.broadcast %mul3A_38 : i32 to vector<16xi32>
        %add3A_40 = arith.addi %add3A_39, %iota3A : vector<16xi32>
        %mul3A_41 = arith.constant 16 : i32
        %mul3A_42 = arith.muli %scan3A_37, %mul3A_41 : i32
        %get3A = arith.index_cast %mul3A_42 : i32 to index
        %get3A_43 = tpu.vector_load %arg10[%get3A] {strides = array<i32>} : memref<1024xi32, #tpu.memory_space<vmem>>, vector<16xi32>,
        %shift_right_arithmetic3A = arith.constant 3 : i32
        %shift_right_arithmetic3A_44 = vector.broadcast %shift_right_arithmetic3A : i32 to vector<16xi32>
        %shift_right_arithmetic3A_45 = arith.shrsi %get3A_43, %shift_right_arithmetic3A_44 : vector<16xi32>
        %shift_left3A = arith.constant 13 : i32
        %shift_left3A_46 = vector.broadcast %shift_left3A : i32 to vector<16xi32>
        %shift_left3A_47 = arith.shli %shift_right_arithmetic3A_45, %shift_left3A_46 : vector<16xi32>
        %and3A = arith.constant 7 : i32
        %and3A_48 = vector.broadcast %and3A : i32 to vector<16xi32>
        %and3A_49 = arith.andi %get3A_43, %and3A_48 : vector<16xi32>
        %shift_left3A_50 = arith.constant 7 : i32
        %shift_left3A_51 = vector.broadcast %shift_left3A_50 : i32 to vector<16xi32>
        %shift_left3A_52 = arith.shli %and3A_49, %shift_left3A_51 : vector<16xi32>
        %add3A_53 = arith.addi %shift_left3A_47, %shift_left3A_52 : vector<16xi32>
        %shift_right_arithmetic3A_54 = arith.constant 7 : i32
        %shift_right_arithmetic3A_55 = vector.broadcast %shift_right_arithmetic3A_54 : i32 to vector<16xi32>
        %shift_right_arithmetic3A_56 = arith.shrsi %add3A_40, %shift_right_arithmetic3A_55 : vector<16xi32>
        %shift_left3A_57 = arith.constant 10 : i32
        %shift_left3A_58 = vector.broadcast %shift_left3A_57 : i32 to vector<16xi32>
        %shift_left3A_59 = arith.shli %shift_right_arithmetic3A_56, %shift_left3A_58 : vector<16xi32>
        %add3A_60 = arith.addi %add3A_53, %shift_left3A_59 : vector<16xi32>
        %and3A_61 = arith.constant 127 : i32
        %and3A_62 = vector.broadcast %and3A_61 : i32 to vector<16xi32>
        %and3A_63 = arith.andi %add3A_40, %and3A_62 : vector<16xi32>
        %add3A_64 = arith.addi %add3A_60, %and3A_63 : vector<16xi32>
        %jit3A = arith.constant 8 : i32
        %div3A = arith.divsi %scan3A_37, %jit3A : i32
        %sign3A = arith.constant 0 : i32
        %sign3A_65 = arith.cmpi sgt, %scan3A_37, %sign3A : i32
        %sign3A_66 = arith.extui %sign3A_65 : i1 to i32
        %sign3A_67 = arith.constant 0 : i32
        %sign3A_68 = arith.cmpi slt, %scan3A_37, %sign3A_67 : i32
        %sign3A_69 = arith.extui %sign3A_68 : i1 to i32
        %sign3A_70 = arith.subi %sign3A_66, %sign3A_69 : i32
        %sign3A_71 = arith.constant 0 : i32
        %sign3A_72 = arith.cmpi sgt, %jit3A, %sign3A_71 : i32
        %sign3A_73 = arith.extui %sign3A_72 : i1 to i32
        %sign3A_74 = arith.constant 0 : i32
        %sign3A_75 = arith.cmpi slt, %jit3A, %sign3A_74 : i32
        %sign3A_76 = arith.extui %sign3A_75 : i1 to i32
        %sign3A_77 = arith.subi %sign3A_73, %sign3A_76 : i32
        %ne3A = arith.cmpi ne, %sign3A_70, %sign3A_77 : i32
        %rem3A = arith.remsi %scan3A_37, %jit3A : i32
        %ne3A_78 = arith.constant 0 : i32
        %ne3A_79 = arith.cmpi ne, %rem3A, %ne3A_78 : i32
        %and3A_80 = arith.andi %ne3A, %ne3A_79 : i1
        %sub3A = arith.constant 1 : i32
        %sub3A_81 = arith.subi %div3A, %sub3A : i32
        %select_n3A = arith.select %and3A_80, %sub3A_81, %div3A : i32
        %jit3A_82 = arith.constant 8 : i32
        %eq3A_83 = arith.constant 0 : i32
        %eq3A_84 = arith.cmpi eq, %jit3A_82, %eq3A_83 : i32
        %jit3A_85 = arith.constant 1 : i32
        %select_n3A_86 = arith.select %eq3A_84, %jit3A_85, %jit3A_82 : i32
        %rem3A_87 = arith.remsi %scan3A_37, %select_n3A_86 : i32
        %ne3A_88 = arith.constant 0 : i32
        %ne3A_89 = arith.cmpi ne, %rem3A_87, %ne3A_88 : i32
        %lt3A = arith.constant 0 : i32
        %lt3A_90 = arith.cmpi slt, %rem3A_87, %lt3A : i32
        %lt3A_91 = arith.constant 0 : i32
        %lt3A_92 = arith.cmpi slt, %select_n3A_86, %lt3A_91 : i32
        %ne3A_93 = arith.xori %lt3A_90, %lt3A_92 : i1
        %and3A_94 = arith.andi %ne3A_93, %ne3A_89 : i1
        %add3A_95 = arith.addi %rem3A_87, %select_n3A_86 : i32
        %select_n3A_96 = arith.select %and3A_94, %add3A_95, %rem3A_87 : i32
        %mul3A_97 = arith.constant 16 : i32
        %mul3A_98 = arith.muli %select_n3A_96, %mul3A_97 : i32
        %swap3A = arith.index_cast %select_n3A : i32 to index
        %swap3A_99 = arith.index_cast %mul3A_98 : i32 to index
        %swap3A_100 = tpu.vector_load %arg11[%swap3A, %swap3A_99] {strides = array<i32>} : memref<8x128xi32, #tpu.memory_space<vmem>>, vector<16xi32>,
        tpu.vector_store %arg11[%swap3A, %swap3A_99], %add3A_64 {strides = array<i32>} : memref<8x128xi32, #tpu.memory_space<vmem>>, vector<16xi32>,
      }
      %scan3A_6 = arith.constant 64 : i32
      %scan3A_7 = arith.constant 0 : i32
      %scan3A_8 = arith.constant 0 : i32
      %scan3A_9 = arith.constant 8 : i32
      %scan3A_10 = arith.addi %scan3A_8, %scan3A_9 : i32
      %scan3A_11 = arith.constant 1 : i32
      scf.for %scan3A_37 = %scan3A_8 to %scan3A_10 step %scan3A_11  : i32 {
        %mul3A = arith.constant 128 : i32
        %mul3A_38 = arith.muli %scan3A_37, %mul3A : i32
        %dma_start3A_39 = tpu.memref_slice %arg12[%mul3A_38] : memref<1024xf32, #tpu.memory_space<vmem>> -> memref<128xf32, #tpu.memory_space<vmem>>
        %dma_start3A_40 = arith.constant 0 : i32
        %dma_start3A_41 = tpu.memref_slice %arg11[%scan3A_37, %dma_start3A_40] : memref<8x128xi32, #tpu.memory_space<vmem>> -> memref<1x128xi32, #tpu.memory_space<vmem>>
        %dma_start3A_42 = tpu.memref_squeeze %dma_start3A_41 : memref<1x128xi32, #tpu.memory_space<vmem>> -> memref<128xi32, #tpu.memory_space<vmem>>
        %dma_start3A_43 = arith.constant 0 : i32
        %dma_start3A_44 = tpu.memref_slice %arg2[%dma_start3A_43] : memref<102400000xf32, #tpu.memory_space<hbm>> -> memref<102400000xf32, #tpu.memory_space<hbm>>
        tpu.enqueue_indirect_dma source(%dma_start3A_44 : memref<102400000xf32, #tpu.memory_space<hbm>>) target(%dma_start3A_39 : memref<128xf32, #tpu.memory_space<vmem>>) offsets(%dma_start3A_42 : memref<128xi32, #tpu.memory_space<vmem>>) semaphore(%arg21 : memref<!tpu.dma_semaphore, #tpu.memory_space<semaphore_mem>>)
        %dma_wait3A = tpu.memref_slice %arg12[%mul3A_38] : memref<1024xf32, #tpu.memory_space<vmem>> -> memref<128xf32, #tpu.memory_space<vmem>>
        %dma_wait3A_45 = arith.constant 0 : i32
        %dma_wait3A_46 = tpu.memref_slice %arg11[%scan3A_37, %dma_wait3A_45] : memref<8x128xi32, #tpu.memory_space<vmem>> -> memref<1x128xi32, #tpu.memory_space<vmem>>
        %dma_wait3A_47 = tpu.memref_squeeze %dma_wait3A_46 : memref<1x128xi32, #tpu.memory_space<vmem>> -> memref<128xi32, #tpu.memory_space<vmem>>
        %dma_wait3A_48 = arith.constant 0 : i32
        %dma_wait3A_49 = tpu.memref_slice %arg2[%dma_wait3A_48] : memref<102400000xf32, #tpu.memory_space<hbm>> -> memref<102400000xf32, #tpu.memory_space<hbm>>
        tpu.wait_indirect_dma semaphore(%arg21 : memref<!tpu.dma_semaphore, #tpu.memory_space<semaphore_mem>>) src(%dma_wait3A_49 : memref<102400000xf32, #tpu.memory_space<hbm>>) dst(%dma_wait3A : memref<128xf32, #tpu.memory_space<vmem>>)
      }
      %scan3A_12 = arith.constant 8 : i32
      %add3A = arith.constant 0 : i32
      %add3A_13 = arith.addi %add3A, %arg1 : i32
      %add3A_14 = arith.constant 0 : i32
      %add3A_15 = arith.addi %add3A_14, %arg1 : i32
      %scan3A_16 = arith.constant 0 : i32
      %scan3A_17 = arith.constant 0 : i32
      %scan3A_18 = arith.constant 4 : i32
      %scan3A_19 = arith.addi %scan3A_17, %scan3A_18 : i32
      %scan3A_20 = arith.constant 1 : i32
      scf.for %scan3A_37 = %scan3A_17 to %scan3A_19 step %scan3A_20  : i32 {
        %mul3A = arith.constant 16 : i32
        %mul3A_38 = arith.muli %scan3A_37, %mul3A : i32
        %add3A_39 = arith.addi %add3A_15, %mul3A_38 : i32
        %iota3A = tpu.iota {dimensions = array<i32: 0>} : vector<16xi32>
        %add3A_40 = vector.broadcast %add3A_39 : i32 to vector<16xi32>
        %add3A_41 = arith.addi %add3A_40, %iota3A : vector<16xi32>
        %min3A = arith.constant 52287 : i32
        %min3A_42 = vector.broadcast %min3A : i32 to vector<16xi32>
        %min3A_43 = arith.minsi %add3A_41, %min3A_42 : vector<16xi32>
        %gather3A = tpu.vector_load_idx %arg8[%min3A_43] : memref<52288xi32, #tpu.memory_space<vmem>>[vector<16xi32>], vector<16xi32>,
        %shift_right_arithmetic3A = arith.constant 3 : i32
        %shift_right_arithmetic3A_44 = vector.broadcast %shift_right_arithmetic3A : i32 to vector<16xi32>
        %shift_right_arithmetic3A_45 = arith.shrsi %gather3A, %shift_right_arithmetic3A_44 : vector<16xi32>
        %shift_left3A = arith.constant 13 : i32
        %shift_left3A_46 = vector.broadcast %shift_left3A : i32 to vector<16xi32>
        %shift_left3A_47 = arith.shli %shift_right_arithmetic3A_45, %shift_left3A_46 : vector<16xi32>
        %and3A = arith.constant 7 : i32
        %and3A_48 = vector.broadcast %and3A : i32 to vector<16xi32>
        %and3A_49 = arith.andi %gather3A, %and3A_48 : vector<16xi32>
        %shift_left3A_50 = arith.constant 7 : i32
        %shift_left3A_51 = vector.broadcast %shift_left3A_50 : i32 to vector<16xi32>
        %shift_left3A_52 = arith.shli %and3A_49, %shift_left3A_51 : vector<16xi32>
        %add3A_53 = arith.addi %shift_left3A_47, %shift_left3A_52 : vector<16xi32>
        %shift_right_arithmetic3A_54 = arith.constant 7 : i32
        %shift_right_arithmetic3A_55 = arith.shrsi %add3A_13, %shift_right_arithmetic3A_54 : i32
        %shift_left3A_56 = arith.constant 10 : i32
        %shift_left3A_57 = arith.shli %shift_right_arithmetic3A_55, %shift_left3A_56 : i32
        %add3A_58 = vector.broadcast %shift_left3A_57 : i32 to vector<16xi32>
        %add3A_59 = arith.addi %add3A_53, %add3A_58 : vector<16xi32>
        %and3A_60 = arith.constant 127 : i32
        %and3A_61 = arith.andi %add3A_13, %and3A_60 : i32
        %add3A_62 = vector.broadcast %and3A_61 : i32 to vector<16xi32>
        %add3A_63 = arith.addi %add3A_59, %add3A_62 : vector<16xi32>
        %mul3A_64 = arith.constant 16 : i32
        %mul3A_65 = arith.muli %scan3A_37, %mul3A_64 : i32
        %swap3A = arith.index_cast %mul3A_65 : i32 to index
        %swap3A_66 = tpu.vector_load %arg18[%swap3A] {strides = array<i32>} : memref<64xi32, #tpu.memory_space<vmem>>, vector<16xi32>,
        tpu.vector_store %arg18[%swap3A], %add3A_63 {strides = array<i32>} : memref<64xi32, #tpu.memory_space<vmem>>, vector<16xi32>,
      }
      %scan3A_21 = arith.constant 4 : i32
      %dma_start3A = arith.constant 0 : i32
      %dma_start3A_22 = tpu.memref_slice %arg2[%dma_start3A] : memref<102400000xf32, #tpu.memory_space<hbm>> -> memref<102400000xf32, #tpu.memory_space<hbm>>
      tpu.enqueue_indirect_dma source(%dma_start3A_22 : memref<102400000xf32, #tpu.memory_space<hbm>>) target(%arg17 : memref<64xf32, #tpu.memory_space<vmem>>) offsets(%arg18 : memref<64xi32, #tpu.memory_space<vmem>>) semaphore(%arg21 : memref<!tpu.dma_semaphore, #tpu.memory_space<semaphore_mem>>)
      %scan3A_23 = arith.constant 0 : i32
      %scan3A_24 = arith.constant 0 : i32
      %scan3A_25 = arith.constant 0.000000e+00 : f32
      %scan3A_26 = arith.constant 0 : i32
      %scan3A_27 = arith.constant 64 : i32
      %scan3A_28 = arith.addi %scan3A_26, %scan3A_27 : i32
      %scan3A_29 = arith.constant 1 : i32
      %scan3A_30:3 = scf.for %scan3A_37 = %scan3A_26 to %scan3A_28 step %scan3A_29 iter_args(%scan3A_38 = %scan3A_23, %scan3A_39 = %scan3A_24, %scan3A_40 = %scan3A_25) -> (i32, i32, f32)  : i32 {
        %dma_wait3A = arith.constant 0 : i32
        %dma_wait3A_41 = tpu.memref_slice %arg2[%dma_wait3A] : memref<102400000xf32, #tpu.memory_space<hbm>> -> memref<102400000xf32, #tpu.memory_space<hbm>>
        tpu.wait_indirect_dma semaphore(%arg21 : memref<!tpu.dma_semaphore, #tpu.memory_space<semaphore_mem>>) src(%dma_wait3A_41 : memref<102400000xf32, #tpu.memory_space<hbm>>) dst(%arg17 : memref<64xf32, #tpu.memory_space<vmem>>)
        %jit3A = arith.constant 2 : i32
        %eq3A_42 = arith.constant 0 : i32
        %eq3A_43 = arith.cmpi eq, %jit3A, %eq3A_42 : i32
        %jit3A_44 = arith.constant 1 : i32
        %select_n3A = arith.select %eq3A_43, %jit3A_44, %jit3A : i32
        %rem3A = arith.remsi %scan3A_37, %select_n3A : i32
        %ne3A = arith.constant 0 : i32
        %ne3A_45 = arith.cmpi ne, %rem3A, %ne3A : i32
        %lt3A = arith.constant 0 : i32
        %lt3A_46 = arith.cmpi slt, %rem3A, %lt3A : i32
        %lt3A_47 = arith.constant 0 : i32
        %lt3A_48 = arith.cmpi slt, %select_n3A, %lt3A_47 : i32
        %ne3A_49 = arith.xori %lt3A_46, %lt3A_48 : i1
        %and3A = arith.andi %ne3A_49, %ne3A_45 : i1
        %add3A_50 = arith.addi %rem3A, %select_n3A : i32
        %select_n3A_51 = arith.select %and3A, %add3A_50, %rem3A : i32
        %mul3A = arith.constant 64 : i32
        %mul3A_52 = arith.muli %arg1, %mul3A : i32
        "tpu.region"() ({
          %run_scoped3A = tpu.sem_alloc : memref<!tpu.dma_semaphore, #tpu.memory_space<semaphore_mem>>
          %dma_start3A_84 = tpu.memref_slice %arg20[%select_n3A_51, %mul3A_52] : memref<2x1024xf32, #tpu.memory_space<vmem_shared>> -> memref<1x64xf32, #tpu.memory_space<vmem_shared>>
          %dma_start3A_85 = tpu.memref_squeeze %dma_start3A_84 : memref<1x64xf32, #tpu.memory_space<vmem_shared>> -> memref<64xf32, #tpu.memory_space<vmem_shared>>
          %dma_start3A_86 = tpu.memref_slice %arg20[%select_n3A_51, %mul3A_52] : memref<2x1024xf32, #tpu.memory_space<vmem_shared>> -> memref<1x64xf32, #tpu.memory_space<vmem_shared>>
          %dma_start3A_87 = tpu.memref_squeeze %dma_start3A_86 : memref<1x64xf32, #tpu.memory_space<vmem_shared>> -> memref<64xf32, #tpu.memory_space<vmem_shared>>
          tpu.enqueue_dma source(%arg17 : memref<64xf32, #tpu.memory_space<vmem>>) target(%dma_start3A_87 : memref<64xf32, #tpu.memory_space<vmem_shared>>) target_semaphore(%run_scoped3A : memref<!tpu.dma_semaphore, #tpu.memory_space<semaphore_mem>>)
          %dma_wait3A_88 = tpu.memref_slice %arg20[%select_n3A_51, %mul3A_52] : memref<2x1024xf32, #tpu.memory_space<vmem_shared>> -> memref<1x64xf32, #tpu.memory_space<vmem_shared>>
          %dma_wait3A_89 = tpu.memref_squeeze %dma_wait3A_88 : memref<1x64xf32, #tpu.memory_space<vmem_shared>> -> memref<64xf32, #tpu.memory_space<vmem_shared>>
          %dma_wait3A_90 = tpu.memref_slice %arg20[%select_n3A_51, %mul3A_52] : memref<2x1024xf32, #tpu.memory_space<vmem_shared>> -> memref<1x64xf32, #tpu.memory_space<vmem_shared>>
          %dma_wait3A_91 = tpu.memref_squeeze %dma_wait3A_90 : memref<1x64xf32, #tpu.memory_space<vmem_shared>> -> memref<64xf32, #tpu.memory_space<vmem_shared>>
          tpu.wait_dma2 semaphore(%run_scoped3A : memref<!tpu.dma_semaphore, #tpu.memory_space<semaphore_mem>>) src(%arg17 : memref<64xf32, #tpu.memory_space<vmem>>) dst(%dma_wait3A_91 : memref<64xf32, #tpu.memory_space<vmem_shared>>)
          tpu.yield
        }) : () -> ()
        %barrier3A = arith.constant 0 : index
        tpu.barrier barrier_id(%barrier3A)
        %add3A_53 = arith.constant 16 : i32
        %add3A_54 = arith.addi %scan3A_38, %add3A_53 : i32
        %add3A_55 = arith.constant 1 : i32
        %add3A_56 = arith.addi %scan3A_37, %add3A_55 : i32
        %lt3A_57 = arith.constant 64 : i32
        %lt3A_58 = arith.cmpi slt, %add3A_56, %lt3A_57 : i32
        %convert_element_type3A_59 = arith.extui %lt3A_58 : i1 to i32
        %cond3A_60 = arith.constant 0 : i32
        %cond3A_61 = arith.cmpi ne, %convert_element_type3A_59, %cond3A_60 : i32
        scf.if %cond3A_61 {
          %add3A_84 = arith.constant 1 : i32
          %add3A_85 = arith.addi %scan3A_37, %add3A_84 : i32
          %mul3A_86 = arith.constant 16 : i32
          %mul3A_87 = arith.muli %add3A_85, %mul3A_86 : i32
          %add3A_88 = arith.addi %mul3A_87, %arg1 : i32
          %add3A_89 = arith.addi %add3A_54, %arg1 : i32
          %scan3A_90 = arith.constant 0 : i32
          %scan3A_91 = arith.constant 0 : i32
          %scan3A_92 = arith.constant 4 : i32
          %scan3A_93 = arith.addi %scan3A_91, %scan3A_92 : i32
          %scan3A_94 = arith.constant 1 : i32
          scf.for %scan3A_98 = %scan3A_91 to %scan3A_93 step %scan3A_94  : i32 {
            %mul3A_99 = arith.constant 16 : i32
            %mul3A_100 = arith.muli %scan3A_98, %mul3A_99 : i32
            %add3A_101 = arith.addi %add3A_89, %mul3A_100 : i32
            %iota3A = tpu.iota {dimensions = array<i32: 0>} : vector<16xi32>
            %add3A_102 = vector.broadcast %add3A_101 : i32 to vector<16xi32>
            %add3A_103 = arith.addi %add3A_102, %iota3A : vector<16xi32>
            %min3A = arith.constant 52287 : i32
            %min3A_104 = vector.broadcast %min3A : i32 to vector<16xi32>
            %min3A_105 = arith.minsi %add3A_103, %min3A_104 : vector<16xi32>
            %gather3A = tpu.vector_load_idx %arg8[%min3A_105] : memref<52288xi32, #tpu.memory_space<vmem>>[vector<16xi32>], vector<16xi32>,
            %shift_right_arithmetic3A = arith.constant 3 : i32
            %shift_right_arithmetic3A_106 = vector.broadcast %shift_right_arithmetic3A : i32 to vector<16xi32>
            %shift_right_arithmetic3A_107 = arith.shrsi %gather3A, %shift_right_arithmetic3A_106 : vector<16xi32>
            %shift_left3A = arith.constant 13 : i32
            %shift_left3A_108 = vector.broadcast %shift_left3A : i32 to vector<16xi32>
            %shift_left3A_109 = arith.shli %shift_right_arithmetic3A_107, %shift_left3A_108 : vector<16xi32>
            %and3A_110 = arith.constant 7 : i32
            %and3A_111 = vector.broadcast %and3A_110 : i32 to vector<16xi32>
            %and3A_112 = arith.andi %gather3A, %and3A_111 : vector<16xi32>
            %shift_left3A_113 = arith.constant 7 : i32
            %shift_left3A_114 = vector.broadcast %shift_left3A_113 : i32 to vector<16xi32>
            %shift_left3A_115 = arith.shli %and3A_112, %shift_left3A_114 : vector<16xi32>
            %add3A_116 = arith.addi %shift_left3A_109, %shift_left3A_115 : vector<16xi32>
            %shift_right_arithmetic3A_117 = arith.constant 7 : i32
            %shift_right_arithmetic3A_118 = arith.shrsi %add3A_88, %shift_right_arithmetic3A_117 : i32
            %shift_left3A_119 = arith.constant 10 : i32
            %shift_left3A_120 = arith.shli %shift_right_arithmetic3A_118, %shift_left3A_119 : i32
            %add3A_121 = vector.broadcast %shift_left3A_120 : i32 to vector<16xi32>
            %add3A_122 = arith.addi %add3A_116, %add3A_121 : vector<16xi32>
            %and3A_123 = arith.constant 127 : i32
            %and3A_124 = arith.andi %add3A_88, %and3A_123 : i32
            %add3A_125 = vector.broadcast %and3A_124 : i32 to vector<16xi32>
            %add3A_126 = arith.addi %add3A_122, %add3A_125 : vector<16xi32>
            %mul3A_127 = arith.constant 16 : i32
            %mul3A_128 = arith.muli %scan3A_98, %mul3A_127 : i32
            %swap3A = arith.index_cast %mul3A_128 : i32 to index
            %swap3A_129 = tpu.vector_load %arg18[%swap3A] {strides = array<i32>} : memref<64xi32, #tpu.memory_space<vmem>>, vector<16xi32>,
            tpu.vector_store %arg18[%swap3A], %add3A_126 {strides = array<i32>} : memref<64xi32, #tpu.memory_space<vmem>>, vector<16xi32>,
          }
          %scan3A_95 = arith.constant 4 : i32
          %dma_start3A_96 = arith.constant 0 : i32
          %dma_start3A_97 = tpu.memref_slice %arg2[%dma_start3A_96] : memref<102400000xf32, #tpu.memory_space<hbm>> -> memref<102400000xf32, #tpu.memory_space<hbm>>
          tpu.enqueue_indirect_dma source(%dma_start3A_97 : memref<102400000xf32, #tpu.memory_space<hbm>>) target(%arg17 : memref<64xf32, #tpu.memory_space<vmem>>) offsets(%arg18 : memref<64xi32, #tpu.memory_space<vmem>>) semaphore(%arg21 : memref<!tpu.dma_semaphore, #tpu.memory_space<semaphore_mem>>)
        } else {
        }
        %jit3A_62 = arith.constant 2 : i32
        %eq3A_63 = arith.constant 0 : i32
        %eq3A_64 = arith.cmpi eq, %jit3A_62, %eq3A_63 : i32
        %jit3A_65 = arith.constant 1 : i32
        %select_n3A_66 = arith.select %eq3A_64, %jit3A_65, %jit3A_62 : i32
        %rem3A_67 = arith.remsi %scan3A_37, %select_n3A_66 : i32
        %ne3A_68 = arith.constant 0 : i32
        %ne3A_69 = arith.cmpi ne, %rem3A_67, %ne3A_68 : i32
        %lt3A_70 = arith.constant 0 : i32
        %lt3A_71 = arith.cmpi slt, %rem3A_67, %lt3A_70 : i32
        %lt3A_72 = arith.constant 0 : i32
        %lt3A_73 = arith.cmpi slt, %select_n3A_66, %lt3A_72 : i32
        %ne3A_74 = arith.xori %lt3A_71, %lt3A_73 : i1
        %and3A_75 = arith.andi %ne3A_74, %ne3A_69 : i1
        %add3A_76 = arith.addi %rem3A_67, %select_n3A_66 : i32
        %select_n3A_77 = arith.select %and3A_75, %add3A_76, %rem3A_67 : i32
        "tpu.region"() ({
          %run_scoped3A = tpu.sem_alloc : memref<!tpu.dma_semaphore, #tpu.memory_space<semaphore_mem>>
          %dma_start3A_84 = arith.constant 0 : i32
          %dma_start3A_85 = tpu.memref_slice %arg20[%select_n3A_77, %dma_start3A_84] : memref<2x1024xf32, #tpu.memory_space<vmem_shared>> -> memref<1x1024xf32, #tpu.memory_space<vmem_shared>>
          %dma_start3A_86 = tpu.memref_squeeze %dma_start3A_85 : memref<1x1024xf32, #tpu.memory_space<vmem_shared>> -> memref<1024xf32, #tpu.memory_space<vmem_shared>>
          %dma_start3A_87 = arith.constant 0 : i32
          %dma_start3A_88 = tpu.memref_slice %arg20[%select_n3A_77, %dma_start3A_87] : memref<2x1024xf32, #tpu.memory_space<vmem_shared>> -> memref<1x1024xf32, #tpu.memory_space<vmem_shared>>
          %dma_start3A_89 = tpu.memref_squeeze %dma_start3A_88 : memref<1x1024xf32, #tpu.memory_space<vmem_shared>> -> memref<1024xf32, #tpu.memory_space<vmem_shared>>
          tpu.enqueue_dma source(%dma_start3A_89 : memref<1024xf32, #tpu.memory_space<vmem_shared>>) target(%arg16 : memref<1024xf32, #tpu.memory_space<vmem>>) target_semaphore(%run_scoped3A : memref<!tpu.dma_semaphore, #tpu.memory_space<semaphore_mem>>)
          %dma_wait3A_90 = arith.constant 0 : i32
          %dma_wait3A_91 = tpu.memref_slice %arg20[%select_n3A_77, %dma_wait3A_90] : memref<2x1024xf32, #tpu.memory_space<vmem_shared>> -> memref<1x1024xf32, #tpu.memory_space<vmem_shared>>
          %dma_wait3A_92 = tpu.memref_squeeze %dma_wait3A_91 : memref<1x1024xf32, #tpu.memory_space<vmem_shared>> -> memref<1024xf32, #tpu.memory_space<vmem_shared>>
          %dma_wait3A_93 = arith.constant 0 : i32
          %dma_wait3A_94 = tpu.memref_slice %arg20[%select_n3A_77, %dma_wait3A_93] : memref<2x1024xf32, #tpu.memory_space<vmem_shared>> -> memref<1x1024xf32, #tpu.memory_space<vmem_shared>>
          %dma_wait3A_95 = tpu.memref_squeeze %dma_wait3A_94 : memref<1x1024xf32, #tpu.memory_space<vmem_shared>> -> memref<1024xf32, #tpu.memory_space<vmem_shared>>
          tpu.wait_dma2 semaphore(%run_scoped3A : memref<!tpu.dma_semaphore, #tpu.memory_space<semaphore_mem>>) src(%dma_wait3A_95 : memref<1024xf32, #tpu.memory_space<vmem_shared>>) dst(%arg16 : memref<1024xf32, #tpu.memory_space<vmem>>)
          tpu.yield
        }) : () -> ()
        %scan3A_78 = arith.constant 0 : i32
        %scan3A_79 = arith.constant 16 : i32
        %scan3A_80 = arith.addi %scan3A_78, %scan3A_79 : i32
        %scan3A_81 = arith.constant 1 : i32
        %scan3A_82:2 = scf.for %scan3A_84 = %scan3A_78 to %scan3A_80 step %scan3A_81 iter_args(%scan3A_85 = %scan3A_38, %scan3A_86 = %scan3A_40) -> (i32, f32)  : i32 {
          %mul3A_87 = arith.constant 16 : i32
          %mul3A_88 = arith.muli %scan3A_37, %mul3A_87 : i32
          %add3A_89 = arith.addi %mul3A_88, %scan3A_84 : i32
          %broadcast_in_dim3A = vector.broadcast %add3A_89 : i32 to vector<16xi32>
          %gather3A = tpu.vector_load_idx %arg10[%broadcast_in_dim3A] : memref<1024xi32, #tpu.memory_space<vmem>>[vector<16xi32>], vector<16xi32>,
          %reduce_max3A = arith.constant true
          %reduce_max3A_90 = vector.broadcast %reduce_max3A : i1 to vector<16xi1>
          %reduce_max3A_91 = arith.constant -2147483648 : i32
          %reduce_max3A_92 = vector.broadcast %reduce_max3A_91 : i32 to vector<16xi32>
          %reduce_max3A_93 = arith.xori %gather3A, %reduce_max3A_92 : vector<16xi32>
          %reduce_max3A_94 = tpu.scan <max>, %reduce_max3A_93 masked %reduce_max3A_90 : vector<16xi32>, vector<16xi1> -> vector<16xi32>
          %reduce_max3A_95 = arith.xori %reduce_max3A_94, %reduce_max3A_92 : vector<16xi32>
          %reduce_max3A_96 = vector.extract %reduce_max3A_95[15] : i32 from vector<16xi32>
          %broadcast_in_dim3A_97 = vector.broadcast %add3A_89 : i32 to vector<16xi32>
          %gather3A_98 = tpu.vector_load_idx %arg12[%broadcast_in_dim3A_97] : memref<1024xf32, #tpu.memory_space<vmem>>[vector<16xi32>], vector<16xf32>,
          %reduce_max3A_99 = arith.constant true
          %reduce_max3A_100 = vector.broadcast %reduce_max3A_99 : i1 to vector<16xi1>
          %reduce_max3A_101 = tpu.scan <max>, %gather3A_98 masked %reduce_max3A_100 : vector<16xf32>, vector<16xi1> -> vector<16xf32>
          %reduce_max3A_102 = vector.extract %reduce_max3A_101[15] : f32 from vector<16xf32>
          %shift_right_arithmetic3A = arith.constant 7 : i32
          %shift_right_arithmetic3A_103 = arith.shrsi %add3A_89, %shift_right_arithmetic3A : i32
          %shift_left3A = arith.constant 10 : i32
          %shift_left3A_104 = arith.shli %shift_right_arithmetic3A_103, %shift_left3A : i32
          %and3A_105 = arith.constant 127 : i32
          %and3A_106 = arith.andi %add3A_89, %and3A_105 : i32
          %add3A_107 = arith.addi %shift_left3A_104, %and3A_106 : i32
          %add3A_108 = arith.addi %scan3A_39, %scan3A_84 : i32
          %ge3A = arith.constant 52224 : i32
          %ge3A_109 = arith.cmpi sge, %scan3A_85, %ge3A : i32
          %while3A = arith.constant 0 : i32
          %while3A_110 = arith.constant false
          %while3A_111 = arith.constant 0.000000e+00 : f32
          %while3A_112 = arith.constant 0 : i32
          %while3A_113:6 = scf.while (%while3A_129 = %scan3A_85, %while3A_130 = %while3A, %while3A_131 = %ge3A_109, %while3A_132 = %while3A_110, %while3A_133 = %while3A_111, %while3A_134 = %while3A_112) : (i32, i32, i1, i1, f32, i32) -> (i32, i32, i1, i1, f32, i32) {
            %not3A = arith.constant true
            %not3A_135 = arith.xori %while3A_131, %not3A : i1
            scf.condition(%not3A_135) %while3A_129, %while3A_130, %while3A_131, %while3A_132, %while3A_133, %while3A_134 : i32, i32, i1, i1, f32, i32
          } do {
          ^bb0(%while3A_129: i32, %while3A_130: i32, %while3A_131: i1, %while3A_132: i1, %while3A_133: f32, %while3A_134: i32):
            %iota3A = tpu.iota {dimensions = array<i32: 0>} : vector<16xi32>
            %add3A_135 = vector.broadcast %while3A_129 : i32 to vector<16xi32>
            %add3A_136 = arith.addi %add3A_135, %iota3A : vector<16xi32>
            %min3A = arith.constant 52287 : i32
            %min3A_137 = vector.broadcast %min3A : i32 to vector<16xi32>
            %min3A_138 = arith.minsi %add3A_136, %min3A_137 : vector<16xi32>
            %gather3A_139 = tpu.vector_load_idx %arg8[%min3A_138] : memref<52288xi32, #tpu.memory_space<vmem>>[vector<16xi32>], vector<16xi32>,
            %gather3A_140 = tpu.vector_load_idx %arg9[%min3A_138] : memref<52288xi32, #tpu.memory_space<vmem>>[vector<16xi32>], vector<16xi32>,
            %sub3A_141 = arith.subi %while3A_129, %add3A_108 : i32
            %ge3A_142 = arith.constant 0 : i32
            %ge3A_143 = arith.cmpi sge, %sub3A_141, %ge3A_142 : i32
            %add3A_144 = arith.constant 16 : i32
            %add3A_145 = arith.addi %sub3A_141, %add3A_144 : i32
            %le3A = arith.constant 64 : i32
            %le3A_146 = arith.cmpi sle, %add3A_145, %le3A : i32
            %and3A_147 = arith.andi %ge3A_143, %le3A_146 : i1
            %convert_element_type3A_148 = arith.extui %and3A_147 : i1 to i32
            %cond3A_149 = arith.constant 0 : i32
            %cond3A_150 = arith.cmpi ne, %convert_element_type3A_148, %cond3A_149 : i32
            %cond3A_151 = scf.if %cond3A_150 -> (vector<16xf32>) {
              %mul3A_261 = arith.constant 64 : i32
              %mul3A_262 = arith.muli %scan3A_84, %mul3A_261 : i32
              %min3A_263 = arith.constant 48 : i32
              %min3A_264 = arith.minsi %sub3A_141, %min3A_263 : i32
              %add3A_265 = arith.addi %mul3A_262, %min3A_264 : i32
              %iota3A_266 = tpu.iota {dimensions = array<i32: 0>} : vector<16xi32>
              %add3A_267 = vector.broadcast %add3A_265 : i32 to vector<16xi32>
              %add3A_268 = arith.addi %add3A_267, %iota3A_266 : vector<16xi32>
              %gather3A_269 = tpu.vector_load_idx %arg16[%add3A_268] : memref<1024xf32, #tpu.memory_space<vmem>>[vector<16xi32>], vector<16xf32>,
              scf.yield %gather3A_269 : vector<16xf32>
            } else {
              %shift_right_arithmetic3A_261 = arith.constant 3 : i32
              %shift_right_arithmetic3A_262 = vector.broadcast %shift_right_arithmetic3A_261 : i32 to vector<16xi32>
              %shift_right_arithmetic3A_263 = arith.shrsi %gather3A_139, %shift_right_arithmetic3A_262 : vector<16xi32>
              %shift_left3A_264 = arith.constant 13 : i32
              %shift_left3A_265 = vector.broadcast %shift_left3A_264 : i32 to vector<16xi32>
              %shift_left3A_266 = arith.shli %shift_right_arithmetic3A_263, %shift_left3A_265 : vector<16xi32>
              %and3A_267 = arith.constant 7 : i32
              %and3A_268 = vector.broadcast %and3A_267 : i32 to vector<16xi32>
              %and3A_269 = arith.andi %gather3A_139, %and3A_268 : vector<16xi32>
              %shift_left3A_270 = arith.constant 7 : i32
              %shift_left3A_271 = vector.broadcast %shift_left3A_270 : i32 to vector<16xi32>
              %shift_left3A_272 = arith.shli %and3A_269, %shift_left3A_271 : vector<16xi32>
              %add3A_273 = arith.addi %shift_left3A_266, %shift_left3A_272 : vector<16xi32>
              %add3A_274 = vector.broadcast %add3A_107 : i32 to vector<16xi32>
              %add3A_275 = arith.addi %add3A_273, %add3A_274 : vector<16xi32>
              %swap3A = arith.constant 0 : index
              %swap3A_276 = tpu.vector_load %arg15[%swap3A] {strides = array<i32>} : memref<16xi32, #tpu.memory_space<vmem>>, vector<16xi32>,
              tpu.vector_store %arg15[%swap3A], %add3A_275 {strides = array<i32>} : memref<16xi32, #tpu.memory_space<vmem>>, vector<16xi32>,
              %dma_start3A_277 = arith.constant 0 : i32
              %dma_start3A_278 = tpu.memref_slice %arg2[%dma_start3A_277] : memref<102400000xf32, #tpu.memory_space<hbm>> -> memref<102400000xf32, #tpu.memory_space<hbm>>
              tpu.enqueue_indirect_dma source(%dma_start3A_278 : memref<102400000xf32, #tpu.memory_space<hbm>>) target(%arg14 : memref<16xf32, #tpu.memory_space<vmem>>) offsets(%arg15 : memref<16xi32, #tpu.memory_space<vmem>>) semaphore(%arg22 : memref<!tpu.dma_semaphore, #tpu.memory_space<semaphore_mem>>)
              %dma_wait3A_279 = arith.constant 0 : i32
              %dma_wait3A_280 = tpu.memref_slice %arg2[%dma_wait3A_279] : memref<102400000xf32, #tpu.memory_space<hbm>> -> memref<102400000xf32, #tpu.memory_space<hbm>>
              tpu.wait_indirect_dma semaphore(%arg22 : memref<!tpu.dma_semaphore, #tpu.memory_space<semaphore_mem>>) src(%dma_wait3A_280 : memref<102400000xf32, #tpu.memory_space<hbm>>) dst(%arg14 : memref<16xf32, #tpu.memory_space<vmem>>)
              %get3A = arith.constant 0 : index
              %get3A_281 = tpu.vector_load %arg14[%get3A] {strides = array<i32>} : memref<16xf32, #tpu.memory_space<vmem>>, vector<16xf32>,
              scf.yield %get3A_281 : vector<16xf32>
            }
            %ne3A_152 = vector.broadcast %reduce_max3A_96 : i32 to vector<16xi32>
            %ne3A_153 = arith.cmpi ne, %gather3A_139, %ne3A_152 : vector<16xi32>
            %lt3A_154 = vector.broadcast %scan3A_85 : i32 to vector<16xi32>
            %lt3A_155 = arith.cmpi slt, %gather3A_140, %lt3A_154 : vector<16xi32>
            %and3A_156 = arith.andi %ne3A_153, %lt3A_155 : vector<16xi1>
            %neg3A = arith.constant 0.000000e+00 : f32
            %neg3A_157 = arith.subf %neg3A, %reduce_max3A_102 : f32
            %add3A_158 = vector.broadcast %neg3A_157 : f32 to vector<16xf32>
            %add3A_159 = arith.addf %cond3A_151, %add3A_158 : vector<16xf32>
            %sub3A_160 = arith.subf %add3A_159, %cond3A_151 : vector<16xf32>
            %sub3A_161 = arith.subf %add3A_159, %sub3A_160 : vector<16xf32>
            %sub3A_162 = arith.subf %cond3A_151, %sub3A_161 : vector<16xf32>
            %sub3A_163 = vector.broadcast %neg3A_157 : f32 to vector<16xf32>
            %sub3A_164 = arith.subf %sub3A_163, %sub3A_160 : vector<16xf32>
            %add3A_165 = arith.addf %sub3A_162, %sub3A_164 : vector<16xf32>
            %add3A_166 = arith.constant 1.000000e+00 : f32
            %add3A_167 = vector.broadcast %add3A_166 : f32 to vector<16xf32>
            %add3A_168 = arith.addf %add3A_167, %add3A_159 : vector<16xf32>
            %sub3A_169 = arith.constant 1.000000e+00 : f32
            %sub3A_170 = vector.broadcast %sub3A_169 : f32 to vector<16xf32>
            %sub3A_171 = arith.subf %add3A_168, %sub3A_170 : vector<16xf32>
            %sub3A_172 = arith.subf %add3A_168, %sub3A_171 : vector<16xf32>
            %sub3A_173 = arith.constant 1.000000e+00 : f32
            %sub3A_174 = vector.broadcast %sub3A_173 : f32 to vector<16xf32>
            %sub3A_175 = arith.subf %sub3A_174, %sub3A_172 : vector<16xf32>
            %sub3A_176 = arith.subf %add3A_159, %sub3A_171 : vector<16xf32>
            %add3A_177 = arith.addf %sub3A_175, %sub3A_176 : vector<16xf32>
            %add3A_178 = arith.addf %add3A_165, %add3A_177 : vector<16xf32>
            %add3A_179 = arith.addf %add3A_168, %add3A_178 : vector<16xf32>
            %lt3A_180 = arith.constant 0.000000e+00 : f32
            %lt3A_181 = vector.broadcast %lt3A_180 : f32 to vector<16xf32>
            %lt3A_182 = arith.cmpf olt, %add3A_179, %lt3A_181 : vector<16xf32>
            %convert_element_type3A_183 = arith.extui %and3A_156 : vector<16xi1> to vector<16xi32>
            %broadcast_in_dim3A_184 = arith.constant true
            %broadcast_in_dim3A_185 = vector.broadcast %broadcast_in_dim3A_184 : i1 to vector<16xi1>
            %masked_cumsum3A = tpu.scan <sum>, %convert_element_type3A_183 masked %broadcast_in_dim3A_185 : vector<16xi32>, vector<16xi1> -> vector<16xi32>
            %add3A_186 = vector.broadcast %while3A_130 : i32 to vector<16xi32>
            %add3A_187 = arith.addi %add3A_186, %masked_cumsum3A : vector<16xi32>
            %not3A = arith.constant dense<true> : vector<16xi1>
            %not3A_188 = arith.xori %lt3A_182, %not3A : vector<16xi1>
            %ge3A_189 = arith.constant 50 : i32
            %ge3A_190 = vector.broadcast %ge3A_189 : i32 to vector<16xi32>
            %ge3A_191 = arith.cmpi sge, %add3A_187, %ge3A_190 : vector<16xi32>
            %or3A = arith.ori %not3A_188, %ge3A_191 : vector<16xi1>
            %and3A_192 = arith.andi %and3A_156, %or3A : vector<16xi1>
            %all_reduce_ffs3A = tpu.all_reduce %and3A_192 {dim = 0 : i64, kind = #tpu.reduction_kind<find_first_set>} : vector<16xi1> -> vector<16xi32>
            %reduce_max3A_193 = arith.constant true
            %reduce_max3A_194 = vector.broadcast %reduce_max3A_193 : i1 to vector<16xi1>
            %reduce_max3A_195 = arith.constant -2147483648 : i32
            %reduce_max3A_196 = vector.broadcast %reduce_max3A_195 : i32 to vector<16xi32>
            %reduce_max3A_197 = arith.xori %all_reduce_ffs3A, %reduce_max3A_196 : vector<16xi32>
            %reduce_max3A_198 = tpu.scan <max>, %reduce_max3A_197 masked %reduce_max3A_194 : vector<16xi32>, vector<16xi1> -> vector<16xi32>
            %reduce_max3A_199 = arith.xori %reduce_max3A_198, %reduce_max3A_196 : vector<16xi32>
            %reduce_max3A_200 = vector.extract %reduce_max3A_199[15] : i32 from vector<16xi32>
            %lt3A_201 = arith.constant 16 : i32
            %lt3A_202 = arith.cmpi slt, %reduce_max3A_200, %lt3A_201 : i32
            %jit3A_203 = arith.constant 0 : i32
            %select_n3A_204 = arith.select %lt3A_202, %reduce_max3A_200, %jit3A_203 : i32
            %convert_element_type3A_205 = arith.extui %lt3A_182 : vector<16xi1> to vector<16xi32>
            %iota3A_206 = tpu.iota {dimensions = array<i32: 0>} : vector<16xi32>
            %eq3A_207 = vector.broadcast %select_n3A_204 : i32 to vector<16xi32>
            %eq3A_208 = arith.cmpi eq, %iota3A_206, %eq3A_207 : vector<16xi32>
            %broadcast_in_dim3A_209 = arith.constant 0 : i32
            %broadcast_in_dim3A_210 = vector.broadcast %broadcast_in_dim3A_209 : i32 to vector<16xi32>
            %select_n3A_211 = arith.select %eq3A_208, %convert_element_type3A_205, %broadcast_in_dim3A_210 : vector<16xi1>, vector<16xi32>
            %reduce_sum3A = arith.constant true
            %reduce_sum3A_212 = vector.broadcast %reduce_sum3A : i1 to vector<16xi1>
            %reduce_sum3A_213 = tpu.scan <sum>, %select_n3A_211 masked %reduce_sum3A_212 : vector<16xi32>, vector<16xi1> -> vector<16xi32>
            %reduce_sum3A_214 = vector.extract %reduce_sum3A_213[15] : i32 from vector<16xi32>
            %gt3A = arith.constant 0 : i32
            %gt3A_215 = arith.cmpi sgt, %reduce_sum3A_214, %gt3A : i32
            %not3A_216 = arith.constant true
            %not3A_217 = arith.xori %gt3A_215, %not3A_216 : i1
            %and3A_218 = arith.andi %lt3A_202, %not3A_217 : i1
            %iota3A_219 = tpu.iota {dimensions = array<i32: 0>} : vector<16xi32>
            %eq3A_220 = vector.broadcast %select_n3A_204 : i32 to vector<16xi32>
            %eq3A_221 = arith.cmpi eq, %iota3A_219, %eq3A_220 : vector<16xi32>
            %broadcast_in_dim3A_222 = arith.constant 0.000000e+00 : f32
            %broadcast_in_dim3A_223 = vector.broadcast %broadcast_in_dim3A_222 : f32 to vector<16xf32>
            %select_n3A_224 = arith.select %eq3A_221, %cond3A_151, %broadcast_in_dim3A_223 : vector<16xi1>, vector<16xf32>
            %reduce_sum3A_225 = arith.constant true
            %reduce_sum3A_226 = vector.broadcast %reduce_sum3A_225 : i1 to vector<16xi1>
            %reduce_sum3A_227 = tpu.scan <sum>, %select_n3A_224 masked %reduce_sum3A_226 : vector<16xf32>, vector<16xi1> -> vector<16xf32>
            %reduce_sum3A_228 = vector.extract %reduce_sum3A_227[15] : f32 from vector<16xf32>
            %jit3A_229 = arith.constant 15 : i32
            %select_n3A_230 = arith.select %lt3A_202, %select_n3A_204, %jit3A_229 : i32
            %iota3A_231 = tpu.iota {dimensions = array<i32: 0>} : vector<16xi32>
            %eq3A_232 = vector.broadcast %select_n3A_230 : i32 to vector<16xi32>
            %eq3A_233 = arith.cmpi eq, %iota3A_231, %eq3A_232 : vector<16xi32>
            %broadcast_in_dim3A_234 = arith.constant 0 : i32
            %broadcast_in_dim3A_235 = vector.broadcast %broadcast_in_dim3A_234 : i32 to vector<16xi32>
            %select_n3A_236 = arith.select %eq3A_233, %add3A_187, %broadcast_in_dim3A_235 : vector<16xi1>, vector<16xi32>
            %reduce_sum3A_237 = arith.constant true
            %reduce_sum3A_238 = vector.broadcast %reduce_sum3A_237 : i1 to vector<16xi1>
            %reduce_sum3A_239 = tpu.scan <sum>, %select_n3A_236 masked %reduce_sum3A_238 : vector<16xi32>, vector<16xi1> -> vector<16xi32>
            %reduce_sum3A_240 = vector.extract %reduce_sum3A_239[15] : i32 from vector<16xi32>
            %sub3A_241 = arith.subi %reduce_sum3A_240, %while3A_130 : i32
            %add3A_242 = arith.constant 16 : i32
            %add3A_243 = arith.addi %while3A_129, %add3A_242 : i32
            %ge3A_244 = arith.constant 52288 : i32
            %ge3A_245 = arith.cmpi sge, %add3A_243, %ge3A_244 : i32
            %add3A_246 = arith.addi %while3A_129, %select_n3A_204 : i32
            %add3A_247 = arith.constant 1 : i32
            %add3A_248 = arith.addi %add3A_246, %add3A_247 : i32
            %add3A_249 = arith.constant 16 : i32
            %add3A_250 = arith.addi %while3A_129, %add3A_249 : i32
            %select_n3A_251 = arith.select %lt3A_202, %add3A_248, %add3A_250 : i32
            %or3A_252 = arith.ori %lt3A_202, %ge3A_245 : i1
            %add3A_253 = arith.addi %while3A_130, %sub3A_241 : i32
            %select_n3A_254 = arith.select %lt3A_202, %while3A_130, %add3A_253 : i32
            %jit3A_255 = arith.constant false
            %select_n3A_256 = arith.select %lt3A_202, %and3A_218, %jit3A_255 : i1
            %jit3A_257 = arith.constant 0.000000e+00 : f32
            %select_n3A_258 = arith.select %lt3A_202, %reduce_sum3A_228, %jit3A_257 : f32
            %jit3A_259 = arith.constant 0 : i32
            %select_n3A_260 = arith.select %lt3A_202, %reduce_sum3A_240, %jit3A_259 : i32
            scf.yield %select_n3A_251, %select_n3A_254, %or3A_252, %select_n3A_256, %select_n3A_258, %select_n3A_260 : i32, i32, i1, i1, f32, i32
          }
          %sub3A = arith.constant 1 : i32
          %sub3A_114 = arith.subi %while3A_113#5, %sub3A : i32
          %max3A = arith.constant 0 : i32
          %max3A_115 = arith.maxsi %sub3A_114, %max3A : i32
          %broadcast_in_dim3A_116 = vector.broadcast %max3A_115 : i32 to vector<16xi32>
          %gather3A_117 = tpu.vector_load_idx %arg13[%broadcast_in_dim3A_116] : memref<64xf32, #tpu.memory_space<vmem>>[vector<16xi32>], vector<16xf32>,
          %reduce_max3A_118 = arith.constant true
          %reduce_max3A_119 = vector.broadcast %reduce_max3A_118 : i1 to vector<16xi1>
          %reduce_max3A_120 = tpu.scan <max>, %gather3A_117 masked %reduce_max3A_119 : vector<16xf32>, vector<16xi1> -> vector<16xf32>
          %reduce_max3A_121 = vector.extract %reduce_max3A_120[15] : f32 from vector<16xf32>
          %sub3A_122 = arith.constant 1.000000e+00 : f32
          %sub3A_123 = arith.subf %sub3A_122, %reduce_max3A_102 : f32
          %add3A_124 = arith.addf %sub3A_123, %while3A_113#4 : f32
          %mul3A_125 = arith.mulf %reduce_max3A_121, %add3A_124 : f32
          %jit3A_126 = arith.constant 0.000000e+00 : f32
          %select_n3A_127 = arith.select %while3A_113#3, %mul3A_125, %jit3A_126 : f32
          %add3A_128 = arith.addf %scan3A_86, %select_n3A_127 : f32
          scf.yield %while3A_113#0, %add3A_128 : i32, f32
        }
        %scan3A_83 = arith.constant 16 : i32
        scf.yield %scan3A_82#0, %add3A_54, %scan3A_82#1 : i32, i32, f32
      }
      %scan3A_31 = arith.constant 64 : i32
      %eq3A_32 = arith.constant 0 : i32
      %eq3A_33 = arith.cmpi eq, %arg1, %eq3A_32 : i32
      %convert_element_type3A_34 = arith.extui %eq3A_33 : i1 to i32
      %cond3A_35 = arith.constant 0 : i32
      %cond3A_36 = arith.cmpi ne, %convert_element_type3A_34, %cond3A_35 : i32
      scf.if %cond3A_36 {
        %iota3A = tpu.iota {dimensions = array<i32: 0>} : vector<16xi32>
        %eq3A_37 = arith.constant 0 : i32
        %eq3A_38 = vector.broadcast %eq3A_37 : i32 to vector<16xi32>
        %eq3A_39 = arith.cmpi eq, %iota3A, %eq3A_38 : vector<16xi32>
        %jit3A = arith.constant 0.000000e+00 : f32
        %broadcast_in_dim3A = vector.broadcast %scan3A_30#2 : f32 to vector<16xf32>
        %broadcast_in_dim3A_40 = vector.broadcast %jit3A : f32 to vector<16xf32>
        %select_n3A = arith.select %eq3A_39, %broadcast_in_dim3A, %broadcast_in_dim3A_40 : vector<16xi1>, vector<16xf32>
        %swap3A = arith.constant 0 : index
        %swap3A_41 = tpu.vector_load %arg19[%swap3A] {strides = array<i32>} : memref<16xf32, #tpu.memory_space<vmem>>, vector<16xf32>,
        tpu.vector_store %arg19[%swap3A], %select_n3A {strides = array<i32>} : memref<16xf32, #tpu.memory_space<vmem>>, vector<16xf32>,
        "tpu.region"() ({
          %run_scoped3A = tpu.sem_alloc : memref<!tpu.dma_semaphore, #tpu.memory_space<semaphore_mem>>
          tpu.enqueue_dma source(%arg19 : memref<16xf32, #tpu.memory_space<vmem>>) target(%arg7 : memref<16xf32, #tpu.memory_space<hbm>>) target_semaphore(%run_scoped3A : memref<!tpu.dma_semaphore, #tpu.memory_space<semaphore_mem>>)
          tpu.wait_dma2 semaphore(%run_scoped3A : memref<!tpu.dma_semaphore, #tpu.memory_space<semaphore_mem>>) src(%arg19 : memref<16xf32, #tpu.memory_space<vmem>>) dst(%arg7 : memref<16xf32, #tpu.memory_space<hbm>>)
          tpu.yield
        }) : () -> ()
      } else {
      }
    } else {
    }
    return
  }
}

module attributes {stable_mosaic.version = 14 : i64} {
  func.func @_pos_body(%arg0: i32, %arg1: memref<2048x1024xf32, #tpu.memory_space<vmem>>, %arg2: memref<1x1024xf32, #tpu.memory_space<vmem>>) attributes {dimension_semantics = [#tpu.dimension_semantics<arbitrary>], iteration_bounds = array<i64: 49>, scalar_prefetch = 0 : i64, scratch_operands = 0 : i64, tpu.core_type = #tpu.core_type<tc>, window_params = [{transform_indices = @transform_0, window_bounds = array<i64: 2048, 1024>}, {pipeline_mode = #tpu.pipeline_mode<synchronous>, transform_indices = @transform_1, window_bounds = array<i64: 1, 1024>}]} {
    %mul3A = arith.constant 2048 : i32
    %mul3A_0 = arith.muli %arg0, %mul3A : i32
    %iota3A = tpu.iota {dimensions = array<i32: 0>} : vector<2048x1xi32>
    %add3A = vector.broadcast %mul3A_0 : i32 to vector<2048x1xi32>
    %add3A_1 = arith.addi %add3A, %iota3A : vector<2048x1xi32>
    %lt3A = arith.constant 100000 : i32
    %lt3A_2 = vector.broadcast %lt3A : i32 to vector<2048x1xi32>
    %lt3A_3 = arith.cmpi slt, %add3A_1, %lt3A_2 : vector<2048x1xi32>
    %get3A = arith.constant 0 : index
    %get3A_4 = arith.constant 0 : index
    %get3A_5 = vector.load %arg1[%get3A, %get3A_4] : memref<2048x1024xf32, #tpu.memory_space<vmem>>, vector<2048x1024xf32>
    %convert_element_type3A = arith.sitofp %add3A_1 : vector<2048x1xi32> to vector<2048x1xf32>
    %mul3A_6 = vector.broadcast %convert_element_type3A : vector<2048x1xf32> to vector<2048x1024xf32>
    %mul3A_7 = arith.mulf %get3A_5, %mul3A_6 : vector<2048x1024xf32>
    %jit3A = arith.constant 0.000000e+00 : f32
    %broadcast_in_dim3A = vector.shape_cast %lt3A_3 : vector<2048x1xi1> to vector<2048x1xi1>
    %broadcast_in_dim3A_8 = vector.broadcast %broadcast_in_dim3A : vector<2048x1xi1> to vector<2048x1024xi1>
    %broadcast_in_dim3A_9 = vector.broadcast %jit3A : f32 to vector<2048x1024xf32>
    %select_n3A = arith.select %broadcast_in_dim3A_8, %mul3A_7, %broadcast_in_dim3A_9 : vector<2048x1024xi1>, vector<2048x1024xf32>
    %reduce_sum3A = arith.constant dense<0.000000e+00> : vector<1024xf32>
    %reduce_sum3A_10 = vector.multi_reduction <add>, %select_n3A, %reduce_sum3A [0] : vector<2048x1024xf32> to vector<1024xf32>
    %broadcast_in_dim3A_11 = vector.shape_cast %reduce_sum3A_10 : vector<1024xf32> to vector<1x1024xf32>
    %eq3A = arith.constant 0 : i32
    %eq3A_12 = arith.cmpi eq, %arg0, %eq3A : i32
    %convert_element_type3A_13 = arith.extui %eq3A_12 : i1 to i32
    %cond3A = arith.constant 0 : i32
    %cond3A_14 = arith.cmpi ne, %convert_element_type3A_13, %cond3A : i32
    scf.if %cond3A_14 {
      %swap3A = arith.constant 0 : index
      %swap3A_19 = arith.constant 0 : index
      %swap3A_20 = vector.load %arg2[%swap3A, %swap3A_19] : memref<1x1024xf32, #tpu.memory_space<vmem>>, vector<1x1024xf32>
      tpu.vector_store %arg2[%swap3A, %swap3A_19], %broadcast_in_dim3A_11 {strides = array<i32>} : memref<1x1024xf32, #tpu.memory_space<vmem>>, vector<1x1024xf32>,
    } else {
    }
    %gt3A = arith.constant 0 : i32
    %gt3A_15 = arith.cmpi sgt, %arg0, %gt3A : i32
    %convert_element_type3A_16 = arith.extui %gt3A_15 : i1 to i32
    %cond3A_17 = arith.constant 0 : i32
    %cond3A_18 = arith.cmpi ne, %convert_element_type3A_16, %cond3A_17 : i32
    scf.if %cond3A_18 {
      %get3A_19 = arith.constant 0 : index
      %get3A_20 = arith.constant 0 : index
      %get3A_21 = vector.load %arg2[%get3A_19, %get3A_20] : memref<1x1024xf32, #tpu.memory_space<vmem>>, vector<1x1024xf32>
      %add3A_22 = arith.addf %get3A_21, %broadcast_in_dim3A_11 : vector<1x1024xf32>
      %swap3A = arith.constant 0 : index
      %swap3A_23 = arith.constant 0 : index
      %swap3A_24 = vector.load %arg2[%swap3A, %swap3A_23] : memref<1x1024xf32, #tpu.memory_space<vmem>>, vector<1x1024xf32>
      tpu.vector_store %arg2[%swap3A, %swap3A_23], %add3A_22 {strides = array<i32>} : memref<1x1024xf32, #tpu.memory_space<vmem>>, vector<1x1024xf32>,
    } else {
    }
    return
  }
  func.func @transform_0(%arg0: i32) -> (i32, i32) {
    %c0_i32 = arith.constant 0 : i32
    %c0_i32_0 = arith.constant 0 : i32
    return %arg0, %c0_i32 : i32, i32
  }
  func.func @transform_1(%arg0: i32) -> (i32, i32) {
    %c0_i32 = arith.constant 0 : i32
    %c0_i32_0 = arith.constant 0 : i32
    %c0_i32_1 = arith.constant 0 : i32
    return %c0_i32, %c0_i32_0 : i32, i32
  }
}

</mosaic_0001>

<sc_bundles>
// kernel: kernel.4.cloned.1.call-start
scs
__scs_entry_jumppad:
0x0: {  	(pc) =	sbr.rel $0x88, $3  }
0x1: {  	(tag) =	ssettag $0x0;
	lr =	simm.s32 $0x1  }
0x2: {  	[smem:$0x3F9F] =	sst lr;
	_ =	strace $0xD0000000  }
0x3: {  	_ = 	snop  }
0x4: {  	_ = 	snop  }
0x5: {  	_ = 	snop  }
0x6: {  	_ = 	snop  }
0x7: {  	_ = 	snop  }
__scs_overlays_trampoline_lowered:
0x8: {  	[smem:$0x3FAE] =	sst s0  }
0x9: {  	[smem:$0x3FAF] =	sst s1  }
0xa: {  	[smem:$0x3FB0] =	sst s2  }
0xb: {  	[smem:$0x3FB1] =	sst s3  }
0xc: {  	[smem:$0x3FB2] =	sst s4  }
0xd: {  	[smem:$0x3FB3] =	sst s5  }
0xe: {  	[smem:$0x3FB4] =	sst s6  }
0xf: {  	[smem:$0x3FB5] =	sst s7  }
0x10: {  	[smem:$0x3FB6] =	sst s8  }
0x11: {  	[smem:$0x3FB7] =	sst s9;
	s0 =	simm.s32 @!p0 $0x0  }
0x12: {  	s1 =	sld [smem:$0x3F9D];
	s0 =	simm.s32 @p0 $0x1  }
0x13: {  	[smem:$0x3FB8] =	sst s0;
	s0 =	simm.s32 @!p1 $0x0  }
0x14: {  	s2 =	sld [smem:$0x3F9C];
	s0 =	simm.s32 @p1 $0x1  }
0x15: {  	[smem:$0x3FB9] =	sst s0;
	s0 =	simm.s32 @!p2 $0x0  }
0x16: {  	s3 =	sld [smem:$0x3FDB];
	s0 =	simm.s32 @p2 $0x1  }
0x17: {  	s4 =	simm.s32 $0x1BF5;
	[smem:$0x3FBB] =	sst s0  }
0x18: {  	s0 =	sld [smem:$0x3F9E];
	_ =	swait.ge [sflag:s4], $0x0  }
0x19: {  	s7 =	sld [smem:$0x3F9F]  }
0x1a: {  	s8 =	sadd.s32 $0xFFFFE003, lr  }
0x1b: {  	s9 =	sadd.s32 $0xFFFFFEF7, lr;
	s5 =	simm.s32 $0xFFFFFFFF;
	p2 =	slt.u32 s8, $0xFFFFF086  }
0x1c: {  	p1 =	slt.u32 s9, $0xF7A;
	s5 =	simm.s32 @!p2 $0x0  }
0x1d: {  	s5 =	simm.s32 @p1 $0x1;
	p0 =	seq.s32 s7, s2  }
0x1e: {  	s7 =	smul.u32 @!p0 $0xF7A, s2;
	p2 =	seq.s32 @!p0 s5, $0x0  }
0x1f: {  	s9 =	smul.u32 $0xF7A, s1;
	s8 =	simm.s32 @!p0 $0x1BF5;
	p2 =	por !p2, p0  }
0x20: {  	[sflag:s8] =	ssyncset.s32 @!p0 $0xFFFFF086;
	s6 =	sadd.s32 @!p0 s3, s7;
	s7 =	simm.s32 @!p0 $0x108  }
0x21: {  	s3 =	sadd.s32 s3, s9;
	s6 =	sadd.s32 @!p0 $0x88, s6;
	s7 =	simm.s32 @p2 $0x1082  }
0x22: {  	[simem:s7], [sflag:s8] =	dma.local @!p0 [hbm:s6], $0xF7A  }
0x23: {  	s9 =	sor.u32 $0xD0000000, s2;
	s6 =	simm.s32 $0x108;
	_ =	swait.ge @!p0 [sflag:s8], $0x0  }
0x24: {  	s3 =	sadd.s32 $0x88, s3;
	s6 =	simm.s32 @!p1 $0x1082;
	[sflag:s4] =	ssyncset.s32 $0xFFFFF086  }
0x25: {  	[simem:s6], [sflag:s4] =	dma.local [hbm:s3], $0xF7A  }
0x26: {  	[smem:$0x3F9F] =	sst s1;
	(tag) =	ssettag s2;
	_ =	strace s9  }
0x27: {  	s1 =	sld [smem:$0x3FAF]  }
0x28: {  	s2 =	sld [smem:$0x3FB0]  }
0x29: {  	s4 =	sld [smem:$0x3FB2]  }
0x2a: {  	p0 =	seq.s32 s5, $0x0;
	s5 =	sld [smem:$0x3FB3]  }
0x2b: {  	s6 =	sld [smem:$0x3FB4]  }
0x2c: {  	s7 =	sld [smem:$0x3FB5]  }
0x2d: {  	s3 =	simm.s32 $0x108;
	s8 =	sld [smem:$0x3FB6]  }
0x2e: {  	s3 =	simm.s32 @!p0 $0x1082;
	s9 =	sld [smem:$0x3FB7]  }
0x2f: {  	lr =	sadd.s32 s0, s3;
	s0 =	sld [smem:$0x3FAE]  }
0x30: {  	s3 =	sld [smem:$0x3FB1]  }
0x31: {  	[smem:$0x3FBA] =	sst s10  }
0x32: {  	s10 =	sld [smem:$0x3FB8];
	_ =	sdelay $0x3  }
0x33: {  	p0 =	seq.s32 s10, $0x1;
	s10 =	sld [smem:$0x3FBA];
	_ =	sdelay $0x3  }
0x34: {  	[smem:$0x3FBA] =	sst s10  }
0x35: {  	s10 =	sld [smem:$0x3FB9];
	_ =	sdelay $0x3  }
0x36: {  	p1 =	seq.s32 s10, $0x1;
	s10 =	sld [smem:$0x3FBA];
	_ =	sdelay $0x3  }
0x37: {  	[smem:$0x3FBA] =	sst s10  }
0x38: {  	s10 =	sld [smem:$0x3FBB]  }
0x39: {  	_ = 	snop;
	(pc) =	sbr.ind lr, $3  }
0x3a: {  	_ = 	snop  }
0x3b: {  	_ = 	snop  }
0x3c: {  	p2 =	seq.s32 s10, $0x1;
	s10 =	sld [smem:$0x3FBA]  }
0x3d: {  	_ =	shalt  }
0x3e: {  	_ =	shalt  }
0x3f: {  	_ =	shalt  }
0x40: {  	_ =	shalt  }
0x41: {  	_ =	shalt  }
0x42: {  	_ =	shalt  }
0x43: {  	_ =	shalt  }
0x44: {  	_ =	shalt  }
0x45: {  	_ =	shalt  }
0x46: {  	_ =	shalt  }
0x47: {  	_ =	shalt  }
0x48: {  	_ =	shalt  }
0x49: {  	_ =	shalt  }
0x4a: {  	_ =	shalt  }
0x4b: {  	_ =	shalt  }
0x4c: {  	_ =	shalt  }
0x4d: {  	_ =	shalt  }
0x4e: {  	_ =	shalt  }
0x4f: {  	_ =	shalt  }
0x50: {  	_ =	shalt  }
0x51: {  	_ =	shalt  }
0x52: {  	_ =	shalt  }
0x53: {  	_ =	shalt  }
0x54: {  	_ =	shalt  }
0x55: {  	_ =	shalt  }
0x56: {  	_ =	shalt  }
0x57: {  	_ =	shalt  }
0x58: {  	_ =	shalt  }
0x59: {  	_ =	shalt  }
0x5a: {  	_ =	shalt  }
0x5b: {  	_ =	shalt  }
0x5c: {  	_ =	shalt  }
0x5d: {  	_ =	shalt  }
0x5e: {  	_ =	shalt  }
0x5f: {  	_ =	shalt  }
0x60: {  	_ =	shalt  }
0x61: {  	_ =	shalt  }
0x62: {  	_ =	shalt  }
0x63: {  	_ =	shalt  }
0x64: {  	_ =	shalt  }
0x65: {  	_ =	shalt  }
0x66: {  	_ =	shalt  }
0x67: {  	_ =	shalt  }
0x68: {  	_ =	shalt  }
0x69: {  	_ =	shalt  }
0x6a: {  	_ =	shalt  }
0x6b: {  	_ =	shalt  }
0x6c: {  	_ =	shalt  }
0x6d: {  	_ =	shalt  }
0x6e: {  	_ =	shalt  }
0x6f: {  	_ =	shalt  }
0x70: {  	_ =	shalt  }
0x71: {  	_ =	shalt  }
0x72: {  	_ =	shalt  }
0x73: {  	_ =	shalt  }
0x74: {  	_ =	shalt  }
0x75: {  	_ =	shalt  }
0x76: {  	_ =	shalt  }
0x77: {  	_ =	shalt  }
0x78: {  	_ =	shalt  }
0x79: {  	_ =	shalt  }
0x7a: {  	_ =	shalt  }
0x7b: {  	_ =	shalt  }
0x7c: {  	_ =	shalt  }
0x7d: {  	_ =	shalt  }
0x7e: {  	_ =	shalt  }
0x7f: {  	_ =	shalt  }
0x80: {  	_ =	shalt  }
0x81: {  	_ =	shalt  }
0x82: {  	_ =	shalt  }
0x83: {  	_ =	shalt  }
0x84: {  	_ =	shalt  }
0x85: {  	_ =	shalt  }
0x86: {  	_ =	shalt  }
0x87: {  	_ =	shalt  }
.Lfunc_end0:
.L_simem_size_0:
called_computation_lowered:
.L_overlay_start_0:
0x88: {  	s2 =	sld [smem:$0x3FD9]  }
0x89: {  	s3 =	sld [smem:$0x3FFE];
	_ =	sdelay $0x1  }
0x8a: {  	s1 =	srdreg.scid  }
0x8b: {  	s0 =	sand.u32 $0x1, s1  }
0x8c: {  	s17 =	sshll.u32 s0, $0xA;
	s2 =	sadd.s32 s3, s2  }
0x8d: {  	s2 =	sadd.s32 s2, s17  }
0x8e: {  	[smem:$0x3FC6] =	sst s2  }
0x8f: {  	_ = 	snop  }
0x90: {  	s2 =	sld [smem:$0x3FC9]  }
0x91: {  	s18 =	sld [smem:$0x3FD0];
	(tm) =	ssettm $0x1  }
0x92: {  	s4 =	sld [smem:$0x3FFB];
	_ =	sdelay $0x3  }
0x93: {  	_ =	strace s4  }
0x94: {  	s4 =	sld [smem:$0x3FFC];
	_ =	sdelay $0x3  }
0x95: {  	_ =	strace s4  }
0x96: {  	s4 =	sld [smem:$0x3FFD];
	_ =	sdelay $0x3  }
0x97: {  	_ =	strace s4  }
0x98: {  	_ =	strace $0x8FFFFFFF  }
0x99: {  	s19 =	sld [smem:$0x3FDB];
	_ =	sdelay $0x1  }
0x9a: {  	s5 =	simm.s32 $_scs_section_size  }
0x9b: {  	s6 =	simm.s32 $_size__tile_overlayer_lowered;
	s7 =	simm.s32 $_tile_overlayer_lowered  }
0x9c: {  	s22 =	simm.s32 $0x1BFF;
	s21 =	sshll.u32 s7, $0x1;
	s4 =	sadd.s32 s5, s19  }
0x9d: {  	s8 =	simm.s32 $0x0;
	s20 =	sshll.u32 s6, $0x1;
	s6 =	sadd.s32 s21, s4  }
0x9e: {  	[timem:s8], [sflag:s22] =	dma.local [hbm:s6], s20  }
0x9f: {  	_ =	swait.ge [sflag:s22], s20  }
0xa0: {  	s5 =	ssub.s32 $0x0, s20;
	[sflag:s22] =	ssyncset.done $0x0  }
0xa1: {  	[sflag:s22] =	ssyncadd.s32 s5;
	_ =	sdelay $0x1  }
0xa2: {  	s23 =	simm.s32 $0x1B8B  }
0xa3: {  	_ =	swait.ge [sflag:s23], $0x1  }
0xa4: {  	[sflag:s23] =	ssyncset.done $0x0  }
0xa5: {  	s25 =	simm.s32 $0x1B8E;
	s24 =	sld [smem:$0x3FFE];
	[sflag:s23] =	ssyncadd.s32 $0xFFFFFFFF  }
0xa6: {  	s26 =	simm.s32 $execute0_lowered;
	[smem:$0x3FD2] =	sst s25  }
0xa7: {  	s6 =	sshll.u32 s26, $0x1;
	_ =	strace $0x80000046;
	[dreg:$0x1] =	wrdreg $0xFFFFFFFF  }
0xa8: {  	s28 =	simm.s32 $_size_execute0_lowered;
	s4 =	sadd.s32 s4, s6;
	[dreg:$0x0] =	wrdreg $0x0  }
0xa9: {  	s6 =	sshll.u32 s28, $0x1;
	[dreg:$0x2] =	wrdreg s4  }
0xaa: {  	[dreg:$0x3] =	wrdreg s6  }
0xab: {  	[dreg:$0x4] =	wrdreg $0xC0  }
0xac: {  	_ =	task [dreg:s8], $0x5FFFF  }
0xad: {  	[dreg:$0x1] =	wrdreg $0xFFFFFFFF  }
0xae: {  	[dreg:$0x0] =	wrdreg $0x60  }
0xaf: {  	[dreg:$0x2] =	wrdreg s2  }
0xb0: {  	[dreg:$0x3] =	wrdreg s24  }
0xb1: {  	[dreg:$0x4] =	wrdreg s18  }
0xb2: {  	[dreg:$0x5] =	wrdreg $0x1AC000  }
0xb3: {  	[dreg:$0x6] =	wrdreg $0x9  }
0xb4: {  	_ =	task.clear_ibuf [dreg:s8], $0x7FFFF;
	_ =	strace $0x90000046  }
0xb5: {  	s29 =	simm.s32 $0x9;
	_ =	strace $0x80000048  }
0xb6: {  	_ =	swait.ge [sflag:s29], $0x1  }
0xb7: {  	[sflag:s29] =	ssyncadd.s32 $0xFFFFFFFF  }
0xb8: {  	_ =	strace $0x90000048  }
0xb9: {  	_ =	sfence  }
0xba: {  	s30 =	sld [smem:$0x0];
	_ =	sdelay $0x2  }
0xbb: {  	s31 =	sshll.u32 s1, $0xD;
	s1 =	sshrl.u32 s1, $0x2  }
0xbc: {  	s3 =	sand.u32 $0x4000, s31;
	s1 =	sadd.s32 s1, s30  }
0xbd: {  	s0 =	sor.u32 s3, s0;
	s1 =	sshll.u32 s1, $0x11  }
0xbe: {  	s0 =	sor.u32 s1, s0  }
0xbf: {  	s0 =	sadd.s32 $0x8F2B, s0  }
0xc0: {  	[sflag:s0] =	ssyncadd.remote.s32 $0x1  }
0xc1: {  	_ =	sfence.sel $0xFFFF  }
0xc2: {  	[dreg:$0x0] =	wrdreg $0xFFFFFFFF;
	(pc) =	sbr.abs _section_cstart, $3  }
0xc3: {  	[dreg:$0x1] =	wrdreg $0xFFFFFFFF  }
0xc4: {  	_ =	task.clear_ibuf [dreg:s8], $0x2FFFF;
	_ =	strace $0x9FFFFFFF  }
0xc5: {  	(tm) =	ssettm $0x7FFFFFFF  }
tec
execute0_lowered:
.L_overlay_start_1:
0x0: {  	(tag) =	ssettag $0x1  }
0x1: {  	s1 =	srdreg.scid  }
0x2: {  	s1 =	sand.u32 $0x1, s1  }
0x3: {  	p0 =	seq.s32 s1, $0x1  }
.Ltmp0:
0x4: {  	_ = 	snop;
	(pc) =	sbr.rel @p0 .LBB2_13-.Ltmp0, $4  }
0x5: {  	s3 =	rddreg [dreg:$0x0]  }
0x6: {  	s0 =	rddreg [dreg:$0x1]  }
0x7: {  	s11 =	rddreg [dreg:$0x3]  }
0x8: {  	s2 =	rddreg [dreg:$0x4];
	_ =	strace $0x80000047;
	s1 =	stileid.u32  }
0x9: {  	s2 =	sadd.s32 $0x2800, s0;
	s6 =	simm.s32 $0x0;
	s20 =	simm.s32 $0x3  }
0xa: {  	[tilespmem:s6], [sflag:$0x3] =	stream.linear.gather [hbm4b:s2+s6], $0xCC80, $0x38;
	[tilespmem:$0x1AC80] =	vst v63  }
0xb: {  	_ =	swait.ge [sflag:s20], $0xCC80  }
0xc: {  	[sflag:s20] =	ssyncset.done $0x0  }
0xd: {  	s4 =	sadd.s32 $0xE00, s0;
	s5 =	simm.s32 $0xCC80;
	[sflag:s20] =	ssyncadd.s32 $0xFFFF3380  }
0xe: {  	[tilespmem:s5], [sflag:$0x3] =	stream.linear.gather [hbm4b:s4+s6], $0xCC80, $0x38;
	[tilespmem:$0x1AC80] =	vst v63  }
0xf: {  	_ =	swait.ge [sflag:s20], $0xCC80  }
0x10: {  	[sflag:s20] =	ssyncset.done $0x0  }
0x11: {  	s21 =	sadd.s32 $0xA00, s0;
	s22 =	simm.s32 $0x19900;
	[sflag:s20] =	ssyncadd.s32 $0xFFFF3380  }
0x12: {  	[tilespmem:s22], [sflag:$0x3] =	stream.linear.gather [hbm4b:s21+s6], $0x400, $0x38;
	[tilespmem:$0x1AC80] =	vst v63  }
0x13: {  	_ =	swait.ge [sflag:s20], $0x400  }
0x14: {  	[sflag:s20] =	ssyncset.done $0x0  }
0x15: {  	s23 =	sadd.s32 $0xC00, s0;
	s24 =	simm.s32 $0x1A500;
	[sflag:s20] =	ssyncadd.s32 $0xFFFFFC00  }
0x16: {  	[tilespmem:s24], [sflag:$0x3] =	stream.linear.gather [hbm4b:s23+s6], $0x80, $0x38;
	[tilespmem:$0x1AC80] =	vst v63  }
0x17: {  	_ =	swait.ge [sflag:s20], $0x80  }
0x18: {  	[sflag:s20] =	ssyncset.done $0x0  }
0x19: {  	s25 =	simm.s32 $0x0;
	[sflag:s20] =	ssyncadd.s32 $0xFFFFFF80  }
0x1a: {  	v0 =	vld [tilespmem:s25+$0x19900];
	_ =	sdelay $0x2  }
0x1b: {  	s26 =	sshll.u32 s1, $0x7;
	v5 =	vlaneseq.u32;
	v1 =	vmov s6  }
0x1c: {  	s28 =	sshll.u32 s1, $0x6;
	s0 =	sand.u32 $0x700, s26;
	v2 =	vor.u32 s6, v5;
	v1 =	vshll.u32 v1, $0x3  }
0x1d: {  	s2 =	sand.u32 $0x40, s28;
	s0 =	sadd.s32 s0, s11;
	v2 =	vand.u32 $0x7F, v2;
	v1 =	vand.u32 $0x1C00, v1;
	v3 =	vshll.u32 v0, $0x7  }
0x1e: {  	s30 =	sor.u32 $0x10, s1;
	s29 =	sand.u32 $0xE00, s6;
	s0 =	sadd.s32 s2, s0;
	v1 =	vor.u32 v1, v2;
	v4 =	vshll.u32 v0, $0xA;
	v3 =	vand.u32 $0x380, v3  }
0x1f: {  	s31 =	sand.u32 $0x70, s6;
	[dreg:$0x5] =	wrdreg s0;
	s0 =	sshrl.u32 s29, $0x2;
	v0 =	vmov s1;
	v2 =	vand.u32 $0xFFFFE000, v4;
	v1 =	vor.u32 v3, v1  }
0x20: {  	s7 =	sor.u32 $0x20, s1;
	s8 =	sor.u32 $0x30, s1;
	s9 =	sor.u32 s31, s0;
	v4 =	vadd.s32 v5, v0;
	v6 =	vor.u32 v2, v1  }
0x21: {  	s2 =	simm.s32 $0x80;
	s4 =	simm.s32 $0x10;
	s0 =	simm.s32 $0x40;
	v3 =	vadd.s32 s30, v5;
	v2 =	vadd.s32 s7, v5;
	v1 =	vadd.s32 s8, v5;
	[tilespmem:s9+$0x19D00] =	vst v6  }
.LBB2_2:
0x22: {  	p0 =	sne.s32 s2, $0xFC0;
	v6 =	vld [tilespmem:s4+$0x19900];
	_ =	sdelay $0x1  }
0x23: {  	s6 =	sadd.s32 $0x10, s6  }
0x24: {  	v7 =	vmov s6  }
0x25: {  	v8 =	vor.u32 s6, v5;
	v7 =	vshll.u32 v7, $0x3  }
.Ltmp1:
0x26: {  	v8 =	vand.u32 $0x7F, v8;
	v7 =	vand.u32 $0x1C00, v7;
	v9 =	vshll.u32 v6, $0x7;
	(pc) =	sbr.rel @p0 .LBB2_2-.Ltmp1, $4  }
0x27: {  	s4 =	sand.u32 $0xE00, s0;
	s0 =	smov.u32 s2;
	v7 =	vor.u32 v7, v8;
	v6 =	vshll.u32 v6, $0xA;
	v9 =	vand.u32 $0x380, v9  }
0x28: {  	s7 =	sand.u32 $0x70, s6;
	s4 =	sshrl.u32 s4, $0x2;
	v6 =	vand.u32 $0xFFFFE000, v6;
	v7 =	vor.u32 v9, v7  }
0x29: {  	s7 =	sor.u32 s7, s4;
	v6 =	vor.u32 v6, v7  }
0x2a: {  	s2 =	sadd.s32 $0x40, s2;
	s4 =	sshra.s32 s0, $0x2;
	[tilespmem:s7+$0x19D00] =	vst v6  }
0x2b: {  	v6 =	vld [tilespmem:s4+$0x19900];
	_ =	sdelay $0x1  }
0x2c: {  	s2 =	sadd.s32 $0x10, s6  }
0x2d: {  	v7 =	vmov s2  }
0x2e: {  	v5 =	vor.u32 s2, v5;
	v7 =	vshll.u32 v7, $0x3  }
0x2f: {  	v5 =	vand.u32 $0x7F, v5;
	v7 =	vand.u32 $0x1C00, v7;
	v8 =	vshll.u32 v6, $0x7  }
0x30: {  	s0 =	sand.u32 $0xE00, s0;
	v5 =	vor.u32 v7, v5;
	v6 =	vshll.u32 v6, $0xA;
	v8 =	vand.u32 $0x380, v8  }
0x31: {  	s2 =	sand.u32 $0x70, s2;
	s0 =	sshrl.u32 s0, $0x2;
	v6 =	vand.u32 $0xFFFFE000, v6;
	v5 =	vor.u32 v8, v5  }
0x32: {  	s12 =	simm.s32 $0x80;
	s0 =	sor.u32 s2, s0;
	v5 =	vor.u32 v6, v5  }
0x33: {  	s13 =	simm.s32 $0x19D00;
	s7 =	simm.s32 $0x1A100;
	s8 =	simm.s32 $0x1;
	[tilespmem:s0+$0x19D00] =	vst v5  }
0x34: {  	[tilespmem:s7], [sflag:$0x1] =	stream.indirect.gather [hbm4b:s3+s12], $0x1, s13, s12, $0xb8;
	[tilespmem:$0x1AC80] =	vst v63  }
0x35: {  	_ =	swait.ge [sflag:s8], $0x80  }
0x36: {  	[sflag:s8] =	ssyncset.done $0x0  }
0x37: {  	s14 =	simm.s32 $0x19D80;
	s15 =	simm.s32 $0x1A180;
	[sflag:s8] =	ssyncadd.s32 $0xFFFFFF80  }
0x38: {  	[tilespmem:s15], [sflag:$0x1] =	stream.indirect.gather [hbm4b:s3+s12], $0x1, s14, s12, $0xb8;
	[tilespmem:$0x1AC80] =	vst v63  }
0x39: {  	_ =	swait.ge [sflag:s8], $0x80  }
0x3a: {  	[sflag:s8] =	ssyncset.done $0x0  }
0x3b: {  	s16 =	simm.s32 $0x19E00;
	s17 =	simm.s32 $0x1A200;
	[sflag:s8] =	ssyncadd.s32 $0xFFFFFF80  }
0x3c: {  	[tilespmem:s17], [sflag:$0x1] =	stream.indirect.gather [hbm4b:s3+s12], $0x1, s16, s12, $0xb8;
	[tilespmem:$0x1AC80] =	vst v63  }
0x3d: {  	_ =	swait.ge [sflag:s8], $0x80  }
0x3e: {  	[sflag:s8] =	ssyncset.done $0x0  }
0x3f: {  	s18 =	simm.s32 $0x19E80;
	s19 =	simm.s32 $0x1A280;
	[sflag:s8] =	ssyncadd.s32 $0xFFFFFF80  }
0x40: {  	[tilespmem:s19], [sflag:$0x1] =	stream.indirect.gather [hbm4b:s3+s12], $0x1, s18, s12, $0xb8;
	[tilespmem:$0x1AC80] =	vst v63  }
0x41: {  	_ =	swait.ge [sflag:s8], $0x80  }
0x42: {  	[sflag:s8] =	ssyncset.done $0x0  }
0x43: {  	s20 =	simm.s32 $0x19F00;
	s21 =	simm.s32 $0x1A300;
	[sflag:s8] =	ssyncadd.s32 $0xFFFFFF80  }
0x44: {  	[tilespmem:s21], [sflag:$0x1] =	stream.indirect.gather [hbm4b:s3+s12], $0x1, s20, s12, $0xb8;
	[tilespmem:$0x1AC80] =	vst v63  }
0x45: {  	_ =	swait.ge [sflag:s8], $0x80  }
0x46: {  	[sflag:s8] =	ssyncset.done $0x0  }
0x47: {  	s22 =	simm.s32 $0x19F80;
	s23 =	simm.s32 $0x1A380;
	[sflag:s8] =	ssyncadd.s32 $0xFFFFFF80  }
0x48: {  	[tilespmem:s23], [sflag:$0x1] =	stream.indirect.gather [hbm4b:s3+s12], $0x1, s22, s12, $0xb8;
	[tilespmem:$0x1AC80] =	vst v63  }
0x49: {  	_ =	swait.ge [sflag:s8], $0x80  }
0x4a: {  	[sflag:s8] =	ssyncset.done $0x0  }
0x4b: {  	s24 =	simm.s32 $0x1A000;
	s25 =	simm.s32 $0x1A400;
	[sflag:s8] =	ssyncadd.s32 $0xFFFFFF80  }
0x4c: {  	[tilespmem:s25], [sflag:$0x1] =	stream.indirect.gather [hbm4b:s3+s12], $0x1, s24, s12, $0xb8;
	[tilespmem:$0x1AC80] =	vst v63  }
0x4d: {  	_ =	swait.ge [sflag:s8], $0x80  }
0x4e: {  	[sflag:s8] =	ssyncset.done $0x0  }
0x4f: {  	s26 =	simm.s32 $0x1A080;
	s28 =	simm.s32 $0x1A480;
	[sflag:s8] =	ssyncadd.s32 $0xFFFFFF80  }
0x50: {  	[tilespmem:s28], [sflag:$0x1] =	stream.indirect.gather [hbm4b:s3+s12], $0x1, s26, s12, $0xb8;
	[tilespmem:$0x1AC80] =	vst v63  }
0x51: {  	_ =	swait.ge [sflag:s8], $0x80  }
0x52: {  	[sflag:s8] =	ssyncset.done $0x0  }
0x53: {  	s9 =	simm.s32 $0x0;
	[sflag:s8] =	ssyncadd.s32 $0xFFFFFF80  }
0x54: {  	v4 =	vld.idx.msk [tilespmem:v4+s9+$0x0], $0xffff;
	_ =	sdelay $0x4  }
0x55: {  	v62 =	vshll.u32 v4, $0xA;
	v4 =	vshll.u32 v4, $0x7  }
0x56: {  	v5 =	vand.u32 $0xFFFFE000, v62;
	v4 =	vand.u32 $0x380, v4  }
0x57: {  	v4 =	vor.u32 v5, v4  }
0x58: {  	v4 =	vor.u32 v0, v4  }
0x59: {  	[tilespmem:$0x1AB00] =	vst v4  }
0x5a: {  	v3 =	vld.idx.msk [tilespmem:v3+s9+$0x0], $0xffff;
	_ =	sdelay $0x4  }
0x5b: {  	v63 =	vshll.u32 v3, $0xA;
	v3 =	vshll.u32 v3, $0x7  }
0x5c: {  	v4 =	vand.u32 $0xFFFFE000, v63;
	v3 =	vand.u32 $0x380, v3  }
0x5d: {  	v3 =	vor.u32 v4, v3  }
0x5e: {  	v3 =	vor.u32 v0, v3  }
0x5f: {  	[tilespmem:$0x1AB10] =	vst v3  }
0x60: {  	v2 =	vld.idx.msk [tilespmem:v2+s9+$0x0], $0xffff;
	_ =	sdelay $0x4  }
0x61: {  	v3 =	vshll.u32 v2, $0xA;
	v2 =	vshll.u32 v2, $0x7  }
0x62: {  	v3 =	vand.u32 $0xFFFFE000, v3;
	v2 =	vand.u32 $0x380, v2  }
0x63: {  	v2 =	vor.u32 v3, v2  }
0x64: {  	v2 =	vor.u32 v0, v2  }
0x65: {  	[tilespmem:$0x1AB20] =	vst v2  }
0x66: {  	v1 =	vld.idx.msk [tilespmem:v1+s9+$0x0], $0xffff;
	_ =	sdelay $0x3  }
0x67: {  	s29 =	simm.s32 $0x40;
	s30 =	simm.s32 $0x1AB00  }
0x68: {  	s31 =	simm.s32 $0x1AA80;
	s10 =	simm.f32 $0.0e+00;
	s13 =	simm.s32 $0x0;
	v2 =	vshll.u32 v1, $0xA;
	v1 =	vshll.u32 v1, $0x7  }
.Ltmp2:
0x69: {  	s14 =	simm.s32 $0x1A680;
	s15 =	simm.s32 $0x19900;
	v2 =	vand.u32 $0xFFFFE000, v2;
	v1 =	vand.u32 $0x380, v1;
	(pc) =	sbr.rel .LBB2_5-.Ltmp2, $4  }
0x6a: {  	s16 =	simm.s32 $0x1A500;
	s17 =	simm.s32 $0xCC80;
	s18 =	simm.s32 $0x10;
	v1 =	vor.u32 v2, v1  }
0x6b: {  	s19 =	simm.s32 $0x1A600;
	s20 =	simm.s32 $0x1A580;
	s21 =	simm.s32 $0x2;
	v0 =	vor.u32 v0, v1  }
0x6c: {  	s22 =	simm.s32 $0x0;
	s25 =	simm.s32 $0x0;
	s12 =	simm.s32 $0x3;
	[tilespmem:$0x1AB30] =	vst v0  }
0x6d: {  	v1 =	vimm.s32 $0x0;
	v0 =	vlaneseq.u32;
	[tilespmem:s31], [sflag:$0x1] =	stream.indirect.gather [hbm4b:s3+s29], $0x1, s30, s29, $0xb8;
	[tilespmem:$0x1AC80] =	vst v63  }
.LBB2_4:
0x6e: {  	p0 =	seq.s32 s25, $0x40  }
.Ltmp3:
0x6f: {  	_ = 	snop;
	(pc) =	sbr.rel @p0 .LBB2_12-.Ltmp3, $2  }
0x70: {  	_ =	sdelay $0x2  }
0x71: {  	s11 =	smov.u32 s5  }
.LBB2_5:
0x72: {  	s24 =	smov.u32 s22;
	s22 =	sadd.s32 $0x10, s13;
	p0 =	seq.s32 s25, $0x3F  }
0x73: {  	_ =	swait.ge [sflag:s8], $0x40;
	s2 =	sshll.u32 s25, $0x7;
	s4 =	sadd.s32 @!p0 s1, s22;
	v2 =	vlaneseq.u32 @!p0  }
0x74: {  	[sflag:s8] =	ssyncset.done $0x0;
	s26 =	sand.u32 $0x80, s2;
	s5 =	rddreg [dreg:$0x5];
	v3 =	vadd.s32 @!p0 s4, v2  }
0x75: {  	s23 =	simm.s32 $0x1AA80;
	[sflag:s8] =	ssyncadd.s32 $0xFFFFFFC0;
	s6 =	sadd.s32 s26, s5;
	vm0 =	vlt.s32 @!p0 v3, $0xCC3F  }
0x76: {  	[spmem:s6] =	stream.linear.scatter [tilespmem:s23], [sflag:$0x3], $0x40, $0x38;
	v3 =	vnsel @!p0 vm0, $0xCC3F, v3;
	[tilespmem:$0x1AC80] =	vst v63  }
0x77: {  	_ =	swait.ge [sflag:s12], $0x40  }
0x78: {  	[sflag:s12] =	ssyncset.done $0x0  }
0x79: {  	[sflag:s12] =	ssyncadd.s32 $0xFFFFFFC0  }
0x7a: {  	s6 =	simm.s32 @!p0 $0x0;
	[bflag:$0x0] =	sbarrier.arrive $0xFFFF  }
0x7b: {  	v3 =	vld.idx.msk @!p0 [tilespmem:v3+s6+$0x0], $0xffff;
	_ =	sdelay $0x1  }
0x7c: {  	s0 =	smov.u32 s25;
	s25 =	sadd.s32 $0x1, s25;
	s28 =	sadd.s32 @!p0 $0x10, s4  }
0x7d: {  	s29 =	sshll.u32 @!p0 s25, $0x4;
	v4 =	vadd.s32 @!p0 s28, v2  }
0x7e: {  	s29 =	sand.u32 @!p0 $0x70, s29;
	s28 =	sshll.u32 @!p0 s25, $0x7;
	vm0 =	vlt.s32 @!p0 v4, $0xCC3F  }
0x7f: {  	s29 =	sor.u32 @!p0 s1, s29;
	s28 =	sand.u32 @!p0 $0x3C00, s28;
	v4 =	vnsel @!p0 vm0, $0xCC3F, v4;
	v5 =	vshll.u32 @!p0 v3, $0x7  }
0x80: {  	s28 =	sor.u32 @!p0 s28, s29;
	v3 =	vshll.u32 @!p0 v3, $0xA;
	v5 =	vand.u32 @!p0 $0x380, v5  }
0x81: {  	v3 =	vand.u32 @!p0 $0xFFFFE000, v3;
	v5 =	vor.u32 @!p0 s28, v5  }
0x82: {  	v3 =	vadd.s32 @!p0 v3, v5  }
0x83: {  	[tilespmem:$0x1AB00] =	vst @!p0 v3  }
0x84: {  	v3 =	vld.idx.msk @!p0 [tilespmem:v4+s6+$0x0], $0xffff;
	_ =	sdelay $0x1  }
0x85: {  	s29 =	sadd.s32 @!p0 $0x20, s4  }
0x86: {  	v4 =	vadd.s32 @!p0 s29, v2  }
0x87: {  	vm0 =	vlt.s32 @!p0 v4, $0xCC3F  }
0x88: {  	v4 =	vnsel @!p0 vm0, $0xCC3F, v4;
	v5 =	vshll.u32 @!p0 v3, $0x7  }
0x89: {  	v3 =	vshll.u32 @!p0 v3, $0xA;
	v5 =	vand.u32 @!p0 $0x380, v5  }
0x8a: {  	v3 =	vand.u32 @!p0 $0xFFFFE000, v3;
	v5 =	vor.u32 @!p0 s28, v5  }
0x8b: {  	v3 =	vadd.s32 @!p0 v3, v5  }
0x8c: {  	[tilespmem:$0x1AB10] =	vst @!p0 v3  }
0x8d: {  	v3 =	vld.idx.msk @!p0 [tilespmem:v4+s6+$0x0], $0xffff;
	_ =	sdelay $0x1  }
0x8e: {  	s4 =	sadd.s32 @!p0 $0x30, s4  }
0x8f: {  	v2 =	vadd.s32 @!p0 s4, v2  }
0x90: {  	vm0 =	vlt.s32 @!p0 v2, $0xCC3F  }
0x91: {  	v2 =	vnsel @!p0 vm0, $0xCC3F, v2;
	v4 =	vshll.u32 @!p0 v3, $0x7  }
0x92: {  	v3 =	vshll.u32 @!p0 v3, $0xA;
	v4 =	vand.u32 @!p0 $0x380, v4  }
0x93: {  	v3 =	vand.u32 @!p0 $0xFFFFE000, v3;
	v4 =	vor.u32 @!p0 s28, v4  }
0x94: {  	v3 =	vadd.s32 @!p0 v3, v4  }
0x95: {  	[tilespmem:$0x1AB20] =	vst @!p0 v3  }
0x96: {  	v2 =	vld.idx.msk @!p0 [tilespmem:v2+s6+$0x0], $0xffff;
	_ =	sdelay $0x4  }
0x97: {  	v3 =	vshll.u32 @!p0 v2, $0x7  }
0x98: {  	v2 =	vshll.u32 @!p0 v2, $0xA;
	v3 =	vand.u32 @!p0 $0x380, v3  }
0x99: {  	v2 =	vand.u32 @!p0 $0xFFFFE000, v2;
	v3 =	vor.u32 @!p0 s28, v3  }
0x9a: {  	s30 =	simm.s32 $0x80;
	v2 =	vadd.s32 @!p0 v2, v3  }
0x9b: {  	s4 =	simm.s32 @!p0 $0x40;
	s6 =	simm.s32 @!p0 $0x1AB00;
	s28 =	simm.s32 @!p0 $0x1AA80;
	[tilespmem:$0x1AB30] =	vst @!p0 v2  }
0x9c: {  	[tilespmem:s28], [sflag:$0x1] =	stream.indirect.gather @!p0 [hbm4b:s3+s4], $0x1, s6, s4, $0xb8;
	[tilespmem:$0x1AC80] =	vst v63  }
.Ltmp4:
0x9d: {  	s31 =	simm.s32 $0x100;
	s26 =	sadd.s32 s26, s11;
	(pc) =	sbr.rel .LBB2_6-.Ltmp4, $4  }
0x9e: {  	[tilespmem:s14], [sflag:$0x3] =	stream.strided.gather [spmem:s26], $0x400, s31, s30, $0x38;
	[tilespmem:$0x1AC80] =	vst v63  }
0x9f: {  	_ =	swait.ge [sflag:s12], $0x400  }
0xa0: {  	s5 =	smov.u32 s11;
	s29 =	simm.s32 $0x0;
	[sflag:s12] =	ssyncset.done $0x0  }
0xa1: {  	s28 =	sand.u32 $0x1C00, s2;
	s26 =	sshll.u32 s0, $0x4;
	[sflag:s12] =	ssyncadd.s32 $0xFFFFFC00  }
.LBB2_7:
0xa2: {  	s2 =	simm.s32 $0x0;
	s0 =	simm.f32 $0.0e+00;
	p1 =	por $0x0, $0x0  }
.LBB2_11:
0xa3: {  	v2 =	vmov s2  }
0xa4: {  	v2 =	vand.u32 $0x7FFFFFFF, v2  }
0xa5: {  	v2 =	vbroadcast v2, $0x0;
	_ =	sdelay $0x5  }
0xa6: {  	v2 =	vld.idx.msk [tilespmem:v2+s16+$0x0], $0xffff;
	_ =	sdelay $0x4  }
0xa7: {  	(xrf0) =	vmax.scan.msk.f32 $0xffff, v2;
	_ =	sdelay $0x5  }
0xa8: {  	v2, _, _ =	vpop (xrf0)  }
0xa9: {  	(v2sf) =	vpush v2, $0xF;
	_ =	sdelay $0xb  }
0xaa: {  	s30 =	ssub.f32 $1.000000000e+00, s30  }
0xab: {  	s29 =	sadd.s32 $0x1, s29  }
0xac: {  	p0 =	seq.s32 s29, $0x10;
	s0 =	sadd.f32 s0, s30  }
.Ltmp5:
0xad: {  	s31 =	spop (v2sf);
	(pc) =	sbr.rel @p0 .LBB2_4-.Ltmp5, $3  }
0xae: {  	s0 =	smul.f32 s31, s0;
	_ =	sdelay $0x1  }
0xaf: {  	s0 =	simm.s32 @!p1 $0x0  }
0xb0: {  	s10 =	sadd.f32 s0, s10  }
.LBB2_6:
0xb1: {  	s0 =	sadd.s32 s26, s29  }
0xb2: {  	v2 =	vmov s0;
	_ =	sdelay $0x4  }
0xb3: {  	v3 =	vld.idx.msk [tilespmem:v2+s7+$0x0], $0xffff;
	_ =	sdelay $0x4  }
0xb4: {  	(xrf0) =	vmax.scan.msk.f32 $0xffff, v3;
	_ =	sdelay $0x5  }
0xb5: {  	v3, _, _ =	vpop (xrf0)  }
0xb6: {  	(v2sf) =	vpush v3, $0xF;
	_ =	sdelay $0x9  }
0xb7: {  	p0 =	sgt.s32 s13, $0xCBFF  }
.Ltmp6:
0xb8: {  	_ = 	snop;
	(pc) =	sbr.rel @p0 .LBB2_7-.Ltmp6, $2  }
0xb9: {  	_ =	sdelay $0x2  }
0xba: {  	v2 =	vld.idx.msk [tilespmem:v2+s15+$0x0], $0xffff;
	s30 =	spop (v2sf)  }
0xbb: {  	_ =	sdelay $0x3  }
0xbc: {  	v2 =	vxor.u32 $0x80000000, v2  }
0xbd: {  	(xrf0) =	vmax.scan.msk.u32 $0xffff, v2;
	_ =	sdelay $0x5  }
0xbe: {  	v2, _, _ =	vpop (xrf0)  }
0xbf: {  	(v2sf) =	vpush v2, $0xF;
	_ =	sdelay $0xe  }
0xc0: {  	s0 =	sand.u32 $0x7F, s0;
	s4 =	ssub.f32 $0.0e+00, s30;
	s2 =	spop (v2sf)  }
0xc1: {  	v4 =	vmov s13;
	s0 =	sor.u32 s28, s0;
	s2 =	sxor.u32 $0x80000000, s2  }
0xc2: {  	s31 =	sadd.s32 s24, s29;
	v5 =	vmov s4;
	v2 =	vmov s0;
	s0 =	simm.s32 $0x0;
	v3 =	vmov s2;
	s2 =	sshll.u32 s29, $0x6  }
.LBB2_9:
0xc3: {  	v6 =	vadd.s32 s13, v0  }
0xc4: {  	vm0 =	vlt.s32 v6, $0xCC3F  }
0xc5: {  	s4 =	ssub.s32 s13, s31;
	v6 =	vnsel vm0, $0xCC3F, v6  }
0xc6: {  	p0 =	slt.s32 s4, $0x0;
	s6 =	sadd.s32 $0x10, s4  }
0xc7: {  	p1 =	sgt.s32 @!p0 s6, $0x40  }
0xc8: {  	p0 =	por p0, p1  }
0xc9: {  	s4 =	smin.u32 @!p0 s4, $0x30  }
0xca: {  	s4 =	sor.u32 @!p0 s2, s4;
	v7 =	vld.idx.msk [tilespmem:v6+s9+$0x0], $0xffff  }
0xcb: {  	v8 =	vld.idx.msk [tilespmem:v6+s17+$0x0], $0xffff;
	v6 =	vadd.s32 @!p0 s4, v0;
	_ =	sdelay $0x4  }
0xcc: {  	v6 =	vld.idx.msk @!p0 [tilespmem:v6+s14+$0x0], $0xffff;
	_ =	sdelay $0x4  }
0xcd: {  	v6 =	vshll.u32 @p0 v7, $0x7  }
0xce: {  	v9 =	vshll.u32 @p0 v7, $0xA;
	v6 =	vand.u32 @p0 $0x380, v6  }
0xcf: {  	v9 =	vand.u32 @p0 $0xFFFFE000, v9;
	v6 =	vor.u32 @p0 v2, v6  }
0xd0: {  	v6 =	vor.u32 @p0 v9, v6  }
0xd1: {  	[tilespmem:$0x1A600] =	vst @p0 v6  }
0xd2: {  	[tilespmem:s20], [sflag:$0x2] =	stream.indirect.gather @p0 [hbm4b:s3+s18], $0x1, s19, s18, $0xb8;
	[tilespmem:$0x1AC80] =	vst v63  }
0xd3: {  	_ =	swait.ge @p0 [sflag:s21], $0x10  }
0xd4: {  	[sflag:s21] =	ssyncset.done @p0 $0x0  }
0xd5: {  	[sflag:s21] =	ssyncadd.s32 @p0 $0xFFFFFFF0  }
0xd6: {  	v6 =	vld @p0 [tilespmem:$0x1A580];
	_ =	sdelay $0x4  }
0xd7: {  	v62 =	vadd.f32 v6, v5;
	_ =	sdelay $0x1  }
0xd8: {  	v10 =	vadd.f32 $1.000000000e+00, v62  }
0xd9: {  	v11 =	vsub.f32 v62, v6  }
0xda: {  	v12 =	vadd.f32 $-1.000000000e+00, v10  }
0xdb: {  	v13 =	vsub.f32 v62, v11  }
0xdc: {  	vm0 =	vne.s32 v7, v3;
	vm1 =	vlt.s32 v8, v4;
	v7 =	vsub.f32 v12, v10  }
0xdd: {  	vm1 =	vmand vm0, vm1;
	v11 =	vsub.f32 v5, v11;
	v8 =	vsub.f32 v6, v13  }
0xde: {  	v63 =	vsel vm1, $0x1, v1;
	v9 =	vsub.f32 v62, v12;
	v7 =	vadd.f32 $1.000000000e+00, v7  }
0xdf: {  	(xrf0) =	vadd.scan.msk.s32 $0xffff, v63  }
0xe0: {  	v8 =	vadd.f32 v8, v11;
	v7 =	vadd.f32 v7, v9;
	_ =	sdelay $0x1  }
0xe1: {  	v7 =	vadd.f32 v7, v8;
	_ =	sdelay $0x1  }
0xe2: {  	v7 =	vadd.f32 v7, v10  }
0xe3: {  	v8, _, _ =	vpop (xrf0)  }
0xe4: {  	vm0 =	vlt.f32 v7, $0.0e+00;
	v7 =	vadd.s32 s0, v8  }
0xe5: {  	vm2 =	vmneg vm0;
	vm3 =	vgt.s32 v7, $0x31  }
0xe6: {  	vm2 =	vmor vm3, vm2  }
0xe7: {  	vm1 =	vmand vm1, vm2  }
0xe8: {  	v8 =	vmctz.xlane vm1;
	_ =	sdelay $0x1  }
0xe9: {  	v8 =	vxor.u32 $0x80000000, v8  }
0xea: {  	(xrf0) =	vmax.scan.msk.u32 $0xffff, v8;
	_ =	sdelay $0x5  }
0xeb: {  	v8, _, _ =	vpop (xrf0)  }
0xec: {  	(v2sf) =	vpush v8, $0xF;
	_ =	sdelay $0xe  }
0xed: {  	s23 =	spop (v2sf)  }
0xee: {  	s6 =	sxor.u32 $0x80000000, s23  }
0xef: {  	p0 =	slt.s32 s6, $0x10;
	s4 =	smov.u32 s6  }
0xf0: {  	s4 =	simm.s32 @!p0 $0xF  }
0xf1: {  	v8 =	vmov s4  }
0xf2: {  	vm1 =	veq.s32 v8, v0  }
0xf3: {  	v7 =	vnsel vm1, $0x0, v7  }
0xf4: {  	(xrf0) =	vadd.scan.msk.s32 $0xffff, v7;
	_ =	sdelay $0x5  }
0xf5: {  	v7, _, _ =	vpop (xrf0)  }
0xf6: {  	(v2sf) =	vpush v7, $0xF;
	_ =	sdelay $0x9  }
0xf7: {  	s23 =	sadd.s32 $0x10, s13  }
0xf8: {  	p1 =	sgt.s32 s23, $0xCC3F  }
0xf9: {  	p2 =	sgt.s32 @!p1 s6, $0xF  }
0xfa: {  	p1 =	por p1, !p2  }
.Ltmp7:
0xfb: {  	_ = 	snop;
	(pc) =	sbr.rel @!p1 .LBB2_9-.Ltmp7, $4  }
0xfc: {  	s11 =	spop (v2sf)  }
0xfd: {  	s13 =	sadd.s32 s6, s13;
	s4 =	smov.u32 s11  }
0xfe: {  	s4 =	smov.u32 @p0 s0;
	s0 =	sadd.s32 $0x1, s13;
	s13 =	smov.u32 s23  }
0xff: {  	s13 =	smov.u32 @p0 s0;
	s0 =	smov.u32 s4  }
0x100: {  	s6 =	simm.s32 @!p0 $0x0  }
0x101: {  	v2 =	vmov s6  }
0x102: {  	vm1 =	veq.s32 v2, v0  }
0x103: {  	v2 =	vnsel vm1, $0x0, v6  }
0x104: {  	vm0 =	vmand vm1, vm0;
	(xrf2) =	vadd.scan.msk.f32 $0xffff, v2  }
0x105: {  	v2 =	vsel vm0, $0x1, v1  }
0x106: {  	(xrf0) =	vadd.scan.msk.s32 $0xffff, v2;
	_ =	sdelay $0x5  }
0x107: {  	v2, _, _ =	vpop (xrf0)  }
0x108: {  	(v2sf) =	vpush v2, $0xF  }
0x109: {  	v2, _, _ =	vpop (xrf2)  }
0x10a: {  	(v2sf) =	vpush v2, $0xF;
	_ =	sdelay $0xb  }
.Ltmp8:
0x10b: {  	_ = 	snop;
	(pc) =	sbr.rel .LBB2_11-.Ltmp8, $4  }
0x10c: {  	s2 =	sadd.s32 $0xFFFFFFFF, s11;
	s0 =	spop (v2sf)  }
0x10d: {  	p2 =	sgt.s32 s2, $0x0;
	p1 =	slt.s32 s0, $0x1  }
0x10e: {  	s2 =	simm.s32 @!p2 $0x0;
	p1 =	por !p0, !p1;
	s0 =	spop (v2sf)  }
0x10f: {  	s2 =	simm.s32 @!p0 $0x0;
	p1 =	por !p1, !p1;
	s0 =	simm.s32 @!p0 $0x0  }
.LBB2_12:
0x110: {  	p0 =	sne.s32 s1, $0x0  }
0x111: {  	v0 =	vmov @!p0 s10;
	vm0 =	vcmask @!p0 $0x300  }
0x112: {  	v0 =	vnsel @!p0 vm0, $0x0, v0  }
0x113: {  	s3 =	rddreg [dreg:$0x2];
	s0 =	simm.s32 @!p0 $0x0;
	s2 =	simm.s32 @!p0 $0x1AB80;
	[tilespmem:$0x1AB80] =	vst @!p0 v0  }
0x114: {  	[hbm4b:s3+s0] =	stream.linear.scatter @!p0 [tilespmem:s2], [sflag:$0x3], $0x80, $0x38;
	[tilespmem:$0x1AC80] =	vst v63  }
0x115: {  	s0 =	simm.s32 @!p0 $0x3  }
0x116: {  	_ =	swait.ge @!p0 [sflag:s0], $0x80  }
0x117: {  	[sflag:s0] =	ssyncset.done @!p0 $0x0  }
0x118: {  	[sflag:s0] =	ssyncadd.s32 @!p0 $0xFFFFFF80  }
0x119: {  	s2 =	rddreg [dreg:$0x4]  }
.LBB2_13:
0x11a: {  	_ =	sfence.sel $0x180000  }
0x11b: {  	[bflag:$0x0] =	sbarrier.arrive $0xFFFF  }
0x11c: {  	p0 =	sne.s32 s1, $0x0;
	_ =	strace $0x90000047  }
0x11d: {  	s0 =	sadd.s32 @!p0 $0x100000, s2;
	[bflag:$0x2] =	sbarrier.arrive $0xFFFF  }
0x11e: {  	[sflag:s0] =	ssyncadd.tile.s32 @!p0 $0x1;
	_ =	shalt  }
.Lfunc_end2:
_tile_overlayer_lowered:
.L_overlay_start_2:
0x11f: {  	(tag) =	ssettag $0x2  }
0x120: {  	s0 =	rddreg [dreg:$0x0];
	s2 =	stileid.u32  }
0x121: {  	s1 =	rddreg [dreg:$0x1];
	p0 =	sne.s32 s2, $0x0  }
0x122: {  	s3 =	rddreg [dreg:$0x2];
	[bflag:$0x3] =	sbarrier.arrive $0xFFFF;
	s2 =	simm.s32 @!p0 $0x1C03  }
0x123: {  	[timem:s3], [sflag:s2] =	dma.local @!p0 [hbm:s0], s1  }
0x124: {  	s0 =	simm.s32 @!p0 $0x3  }
0x125: {  	_ =	swait.ge @!p0 [sflag:s0], s1  }
0x126: {  	s1 =	ssub.s32 @!p0 $0x0, s1;
	[sflag:s0] =	ssyncset.done @!p0 $0x0  }
0x127: {  	[sflag:s0] =	ssyncadd.s32 @!p0 s1  }
0x128: {  	[bflag:$0x3] =	sbarrier.arrive $0xFFFF  }
0x129: {  	_ =	shalt  }

</sc_bundles>
